<compile_context>
chip_gen: v7x
topology: tpu7x:2x2x1
jax: 0.10.2.dev20260603
libtpu: 0.0.44.dev20260713+nightly
codegen_flags: <defaults>
</compile_context>

<pallas_src>
import functools

import jax
import jax.numpy as jnp
from jax import lax
from jax.experimental import pallas as pl
from jax.experimental.pallas import tpu as pltpu
from jax.experimental.pallas import tpu_sc as plsc

N = 10000
E = 320000
D = 128
CH = 96
NC = 2
NS = 16
NW = NC * NS
KCH = 108
GCH = 54
E_PAD = NW * KCH * CH
N_PAD = 10240
ROWS_PER_TILE = N_PAD // NS

_mesh = plsc.VectorSubcoreMesh(core_axis_name="c", subcore_axis_name="s")


@functools.partial(
    pl.kernel,
    out_type=jax.ShapeDtypeStruct((NC, N_PAD, D), jnp.float32),
    mesh=_mesh,
    compiler_params=pltpu.CompilerParams(use_tc_tiling_on_sc=False),
    scratch_types=[
        pltpu.VMEM((GCH, CH), jnp.int32),
        pltpu.VMEM((GCH, CH), jnp.int32),
        pltpu.VMEM((3, CH, D), jnp.float32),
        pltpu.VMEM_SHARED((N_PAD, D), jnp.float32),
        pltpu.SemaphoreType.DMA,
        pltpu.SemaphoreType.DMA,
    ],
)
def _sc_aggregate(h_hbm, src_hbm, dst_hbm, zeros_hbm, out_hbm,
                  src_v, dst_v, rows_v, agg_sh, sem, sem2):
    c = lax.axis_index("c")
    s = lax.axis_index("s")
    wid = c * NS + s

    r0 = s * ROWS_PER_TILE
    pltpu.sync_copy(zeros_hbm.at[pl.ds(r0, ROWS_PER_TILE)],
                    agg_sh.at[pl.ds(r0, ROWS_PER_TILE)])

    plsc.subcore_barrier()

    def group_body(g, carry):
        base = wid * KCH + g * GCH
        pltpu.sync_copy(src_hbm.at[pl.ds(base, GCH)], src_v)
        pltpu.sync_copy(dst_hbm.at[pl.ds(base, GCH)], dst_v)

        for b in range(2):
            pltpu.async_copy(h_hbm.at[src_v.at[b]], rows_v.at[b], sem)

        def ring_body(jj, carry2):
            for b3 in range(3):
                j = jj * 3 + b3
                b = j % 3
                pltpu.make_async_copy(h_hbm.at[src_v.at[j]], rows_v.at[b],
                                      sem).wait()
                pltpu.async_copy(rows_v.at[b], agg_sh.at[dst_v.at[j]],
                                 sem2, add=True)

                @pl.when(j >= 1)
                def _():
                    pltpu.make_async_copy(rows_v.at[b],
                                          agg_sh.at[dst_v.at[j]],
                                          sem2).wait()

                @pl.when(j + 2 < GCH)
                def _():
                    pltpu.async_copy(h_hbm.at[src_v.at[j + 2]],
                                     rows_v.at[(j + 2) % 3], sem)
            return carry2

        lax.fori_loop(0, GCH // 3, ring_body, 0)
        pltpu.make_async_copy(rows_v.at[0], agg_sh.at[dst_v.at[0]],
                              sem2).wait()
        return carry

    lax.fori_loop(0, KCH // GCH, group_body, 0)

    plsc.subcore_barrier()

    pltpu.sync_copy(agg_sh.at[pl.ds(r0, ROWS_PER_TILE)],
                    out_hbm.at[c, pl.ds(r0, ROWS_PER_TILE)])


def _tc_layer_body(h_ref, p_ref, w_ref, b_ref, out_ref):
    combined = h_ref[...] + p_ref[0] + p_ref[1]
    acc = jnp.dot(combined, w_ref[...], preferred_element_type=jnp.float32)
    out_ref[...] = jnp.maximum(acc + b_ref[...], 0.0)


def _tc_final_body(h_ref, p_ref, w_ref, b_ref, fcw_ref, fcb_ref, out_ref,
                   acc_ref):
    m = pl.program_id(0)
    combined = h_ref[...] + p_ref[0] + p_ref[1]
    act = jnp.maximum(
        jnp.dot(combined, w_ref[...], preferred_element_type=jnp.float32)
        + b_ref[...], 0.0)
    colsum = jnp.sum(act, axis=0, keepdims=True)

    @pl.when(m == 0)
    def _():
        acc_ref[...] = colsum

    @pl.when(m > 0)
    def _():
        acc_ref[...] = acc_ref[...] + colsum

    @pl.when(m == pl.num_programs(0) - 1)
    def _():
        hg = acc_ref[...] * (1.0 / N)
        out_ref[...] = (
            jnp.dot(hg, fcw_ref[...], preferred_element_type=jnp.float32)
            + fcb_ref[...])


_BM = 2000


def _tc_layer(h, p, W, b2d):
    return pl.pallas_call(
        _tc_layer_body,
        grid=(N // _BM,),
        in_specs=[
            pl.BlockSpec((_BM, D), lambda m: (m, 0)),
            pl.BlockSpec((NC, _BM, D), lambda m: (0, m, 0)),
            pl.BlockSpec((D, D), lambda m: (0, 0)),
            pl.BlockSpec((1, D), lambda m: (0, 0)),
        ],
        out_specs=pl.BlockSpec((_BM, D), lambda m: (m, 0)),
        out_shape=jax.ShapeDtypeStruct((N, D), jnp.float32),
    )(h, p, W, b2d)


def _tc_final(h, p, W, b2d, fcW, fcb2d):
    nclass = fcW.shape[1]
    return pl.pallas_call(
        _tc_final_body,
        grid=(N // _BM,),
        in_specs=[
            pl.BlockSpec((_BM, D), lambda m: (m, 0)),
            pl.BlockSpec((NC, _BM, D), lambda m: (0, m, 0)),
            pl.BlockSpec((D, D), lambda m: (0, 0)),
            pl.BlockSpec((1, D), lambda m: (0, 0)),
            pl.BlockSpec((D, nclass), lambda m: (0, 0)),
            pl.BlockSpec((1, nclass), lambda m: (0, 0)),
        ],
        out_specs=pl.BlockSpec((1, nclass), lambda m: (0, 0)),
        out_shape=jax.ShapeDtypeStruct((1, nclass), jnp.float32),
        scratch_shapes=[pltpu.VMEM((1, D), jnp.float32)],
    )(h, p, W, b2d, fcW, fcb2d)


def kernel(x, edge_index, W1, b1, W2, b2, W3, b3, fcW, fcb):
    pad = E_PAD - E
    pad_src = (jnp.arange(pad, dtype=jnp.int32) * 37) % N
    pad_dst = N + (jnp.arange(pad, dtype=jnp.int32) % (N_PAD - N))
    src = jnp.concatenate([edge_index[0], pad_src])
    dst = jnp.concatenate([edge_index[1], pad_dst])
    src_m = src.reshape(-1, CH)
    dst_m = dst.reshape(-1, CH)
    zeros = jnp.zeros((N_PAD, D), jnp.float32)

    h = x
    for (W, b) in ((W1, b1), (W2, b2)):
        p = _sc_aggregate(h, src_m, dst_m, zeros)
        h = _tc_layer(h, p, W, b.reshape(1, D))

    p = _sc_aggregate(h, src_m, dst_m, zeros)
    return _tc_final(h, p, W3, b3.reshape(1, D), fcW,
                     fcb.reshape(1, fcb.shape[0]))

# --- scband reference (transcript-rebuilt; emitter-appended) ---
"""Pipeline reference for scband-gin-23845658427623 (READ-ONLY COPY).

The authoritative reference and input builder live on the scoring server;
editing this copy changes nothing except your own understanding.
"""

import jax, jax.numpy as jnp
import numpy as np

N_NODES = 10000
N_EDGES = 320000
D_IN = 128
D_HID = 128
N_CLASSES = 10
N_LAYERS = 3


def _init_linear(key, fan_in, fan_out):
    kw, kb = jax.random.split(key)
    bound = 1.0 / np.sqrt(fan_in)
    W = jax.random.uniform(kw, (fan_in, fan_out), minval=-bound, maxval=bound, dtype=jnp.float32)
    b = jax.random.uniform(kb, (fan_out,), minval=-bound, maxval=bound, dtype=jnp.float32)
    return W, b


def setup_inputs(seed: int = 0):
    key = jax.random.key(seed)
    ks = jax.random.split(key, 8)
    x = jax.random.normal(ks[0], (N_NODES, D_IN), dtype=jnp.float32)
    edge_index = jax.random.randint(ks[1], (2, N_EDGES), 0, N_NODES, dtype=jnp.int32)
    W1, b1 = _init_linear(ks[2], D_IN, D_HID)
    W2, b2 = _init_linear(ks[3], D_HID, D_HID)
    W3, b3 = _init_linear(ks[4], D_HID, D_HID)
    fcW, fcb = _init_linear(ks[5], D_HID, N_CLASSES)
    return {"x": x, "edge_index": edge_index,
            "W1": W1, "b1": b1, "W2": W2, "b2": b2, "W3": W3, "b3": b3,
            "fcW": fcW, "fcb": fcb}


def _gin_conv(h, src, dst, W, b):
    # sum-aggregate neighbor features (message passing with 'sum' reducer)
    msgs = jnp.take(h, src, axis=0)
    agg = jax.ops.segment_sum(msgs, dst, num_segments=N_NODES)
    # GIN combine (eps = 0): (1 + eps) * h + sum_neighbors, then linear
    combined = h + agg
    return combined @ W + b


def reference(x, edge_index, W1, b1, W2, b2, W3, b3, fcW, fcb):
    src = edge_index[0]
    dst = edge_index[1]
    h = x
    for (W, b) in ((W1, b1), (W2, b2), (W3, b3)):
        h = jax.nn.relu(_gin_conv(h, src, dst, W, b))
    # dgl.mean_nodes over a single graph -> mean over all nodes
    hg = jnp.mean(h, axis=0, keepdims=True)
    return hg @ fcW + fcb

if __name__ == "__main__":
    import jax
    _d = setup_inputs()
    print(jax.jit(kernel)(*tuple(_d.values())))

</pallas_src>

<mosaic_0001>
#map = affine_map<(d0, d1) -> (0, 0)>
#map1 = affine_map<(d0, d1) -> (0, 0, 0)>
module attributes {stable_mosaic.version = 14 : i64} {
  func.func @_sc_aggregate(%arg0: i32, %arg1: i32, %arg2: memref<10000x128xf32, #tpu.memory_space<hbm>>, %arg3: memref<3456x96xi32, #tpu.memory_space<hbm>>, %arg4: memref<3456x96xi32, #tpu.memory_space<hbm>>, %arg5: memref<10240x128xf32, #tpu.memory_space<hbm>>, %arg6: memref<2x10240x128xf32, #tpu.memory_space<hbm>>, %arg7: memref<54x96xi32, #tpu.memory_space<vmem>>, %arg8: memref<54x96xi32, #tpu.memory_space<vmem>>, %arg9: memref<3x96x128xf32, #tpu.memory_space<vmem>>, %arg10: memref<10240x128xf32, #tpu.memory_space<vmem_shared>>, %arg11: memref<!tpu.dma_semaphore, #tpu.memory_space<semaphore_mem>>, %arg12: memref<!tpu.dma_semaphore, #tpu.memory_space<semaphore_mem>>) attributes {dimension_semantics = [#tpu.dimension_semantics<core_parallel>, #tpu.dimension_semantics<subcore_parallel>], iteration_bounds = array<i64: 2, 16>, scalar_prefetch = 0 : i64, scratch_operands = 6 : i64, tpu.core_type = #tpu.core_type<sc_vector_subcore>, window_params = [{transform_indices = #map}, {transform_indices = #map}, {transform_indices = #map}, {transform_indices = #map}, {transform_indices = #map1}]} {
    %mul3A = arith.constant 16 : i32
    %mul3A_0 = arith.muli %arg0, %mul3A : i32
    %add3A = arith.addi %mul3A_0, %arg1 : i32
    %mul3A_1 = arith.constant 640 : i32
    %mul3A_2 = arith.muli %arg1, %mul3A_1 : i32
    "tpu.region"() ({
      %run_scoped3A = tpu.sem_alloc : memref<!tpu.dma_semaphore, #tpu.memory_space<semaphore_mem>>
      %dma_start3A = arith.constant 0 : i32
      %dma_start3A_9 = tpu.memref_slice %arg10[%mul3A_2, %dma_start3A] : memref<10240x128xf32, #tpu.memory_space<vmem_shared>> -> memref<640x128xf32, #tpu.memory_space<vmem_shared>>
      %dma_start3A_10 = arith.constant 0 : i32
      %dma_start3A_11 = tpu.memref_slice %arg5[%mul3A_2, %dma_start3A_10] : memref<10240x128xf32, #tpu.memory_space<hbm>> -> memref<640x128xf32, #tpu.memory_space<hbm>>
      tpu.enqueue_dma source(%dma_start3A_11 : memref<640x128xf32, #tpu.memory_space<hbm>>) target(%dma_start3A_9 : memref<640x128xf32, #tpu.memory_space<vmem_shared>>) target_semaphore(%run_scoped3A : memref<!tpu.dma_semaphore, #tpu.memory_space<semaphore_mem>>)
      %dma_wait3A = arith.constant 0 : i32
      %dma_wait3A_12 = tpu.memref_slice %arg10[%mul3A_2, %dma_wait3A] : memref<10240x128xf32, #tpu.memory_space<vmem_shared>> -> memref<640x128xf32, #tpu.memory_space<vmem_shared>>
      %dma_wait3A_13 = arith.constant 0 : i32
      %dma_wait3A_14 = tpu.memref_slice %arg5[%mul3A_2, %dma_wait3A_13] : memref<10240x128xf32, #tpu.memory_space<hbm>> -> memref<640x128xf32, #tpu.memory_space<hbm>>
      tpu.wait_dma2 semaphore(%run_scoped3A : memref<!tpu.dma_semaphore, #tpu.memory_space<semaphore_mem>>) src(%dma_wait3A_14 : memref<640x128xf32, #tpu.memory_space<hbm>>) dst(%dma_wait3A_12 : memref<640x128xf32, #tpu.memory_space<vmem_shared>>)
      tpu.yield
    }) : () -> ()
    %barrier3A = arith.constant 0 : index
    tpu.barrier barrier_id(%barrier3A)
    %scan3A = arith.constant 0 : i32
    %scan3A_3 = arith.constant 0 : i32
    %scan3A_4 = arith.constant 2 : i32
    %scan3A_5 = arith.addi %scan3A_3, %scan3A_4 : i32
    %scan3A_6 = arith.constant 1 : i32
    scf.for %scan3A_9 = %scan3A_3 to %scan3A_5 step %scan3A_6  : i32 {
      %mul3A_10 = arith.constant 108 : i32
      %mul3A_11 = arith.muli %add3A, %mul3A_10 : i32
      %mul3A_12 = arith.constant 54 : i32
      %mul3A_13 = arith.muli %scan3A_9, %mul3A_12 : i32
      %add3A_14 = arith.addi %mul3A_11, %mul3A_13 : i32
      "tpu.region"() ({
        %run_scoped3A = tpu.sem_alloc : memref<!tpu.dma_semaphore, #tpu.memory_space<semaphore_mem>>
        %dma_start3A_55 = arith.constant 0 : i32
        %dma_start3A_56 = tpu.memref_slice %arg3[%add3A_14, %dma_start3A_55] : memref<3456x96xi32, #tpu.memory_space<hbm>> -> memref<54x96xi32, #tpu.memory_space<hbm>>
        %dma_start3A_57 = arith.constant 0 : i32
        %dma_start3A_58 = tpu.memref_slice %arg3[%add3A_14, %dma_start3A_57] : memref<3456x96xi32, #tpu.memory_space<hbm>> -> memref<54x96xi32, #tpu.memory_space<hbm>>
        tpu.enqueue_dma source(%dma_start3A_58 : memref<54x96xi32, #tpu.memory_space<hbm>>) target(%arg7 : memref<54x96xi32, #tpu.memory_space<vmem>>) target_semaphore(%run_scoped3A : memref<!tpu.dma_semaphore, #tpu.memory_space<semaphore_mem>>)
        %dma_wait3A_59 = arith.constant 0 : i32
        %dma_wait3A_60 = tpu.memref_slice %arg3[%add3A_14, %dma_wait3A_59] : memref<3456x96xi32, #tpu.memory_space<hbm>> -> memref<54x96xi32, #tpu.memory_space<hbm>>
        %dma_wait3A_61 = arith.constant 0 : i32
        %dma_wait3A_62 = tpu.memref_slice %arg3[%add3A_14, %dma_wait3A_61] : memref<3456x96xi32, #tpu.memory_space<hbm>> -> memref<54x96xi32, #tpu.memory_space<hbm>>
        tpu.wait_dma2 semaphore(%run_scoped3A : memref<!tpu.dma_semaphore, #tpu.memory_space<semaphore_mem>>) src(%dma_wait3A_62 : memref<54x96xi32, #tpu.memory_space<hbm>>) dst(%arg7 : memref<54x96xi32, #tpu.memory_space<vmem>>)
        tpu.yield
      }) : () -> ()
      "tpu.region"() ({
        %run_scoped3A = tpu.sem_alloc : memref<!tpu.dma_semaphore, #tpu.memory_space<semaphore_mem>>
        %dma_start3A_55 = arith.constant 0 : i32
        %dma_start3A_56 = tpu.memref_slice %arg4[%add3A_14, %dma_start3A_55] : memref<3456x96xi32, #tpu.memory_space<hbm>> -> memref<54x96xi32, #tpu.memory_space<hbm>>
        %dma_start3A_57 = arith.constant 0 : i32
        %dma_start3A_58 = tpu.memref_slice %arg4[%add3A_14, %dma_start3A_57] : memref<3456x96xi32, #tpu.memory_space<hbm>> -> memref<54x96xi32, #tpu.memory_space<hbm>>
        tpu.enqueue_dma source(%dma_start3A_58 : memref<54x96xi32, #tpu.memory_space<hbm>>) target(%arg8 : memref<54x96xi32, #tpu.memory_space<vmem>>) target_semaphore(%run_scoped3A : memref<!tpu.dma_semaphore, #tpu.memory_space<semaphore_mem>>)
        %dma_wait3A_59 = arith.constant 0 : i32
        %dma_wait3A_60 = tpu.memref_slice %arg4[%add3A_14, %dma_wait3A_59] : memref<3456x96xi32, #tpu.memory_space<hbm>> -> memref<54x96xi32, #tpu.memory_space<hbm>>
        %dma_wait3A_61 = arith.constant 0 : i32
        %dma_wait3A_62 = tpu.memref_slice %arg4[%add3A_14, %dma_wait3A_61] : memref<3456x96xi32, #tpu.memory_space<hbm>> -> memref<54x96xi32, #tpu.memory_space<hbm>>
        tpu.wait_dma2 semaphore(%run_scoped3A : memref<!tpu.dma_semaphore, #tpu.memory_space<semaphore_mem>>) src(%dma_wait3A_62 : memref<54x96xi32, #tpu.memory_space<hbm>>) dst(%arg8 : memref<54x96xi32, #tpu.memory_space<vmem>>)
        tpu.yield
      }) : () -> ()
      %dma_start3A = arith.constant 0 : i32
      %dma_start3A_15 = arith.constant 0 : i32
      %dma_start3A_16 = arith.constant 0 : i32
      %dma_start3A_17 = arith.constant 0 : i32
      %dma_start3A_18 = tpu.memref_slice %arg9[%dma_start3A_15, %dma_start3A_16, %dma_start3A_17] : memref<3x96x128xf32, #tpu.memory_space<vmem>> -> memref<1x96x128xf32, #tpu.memory_space<vmem>>
      %dma_start3A_19 = tpu.memref_squeeze %dma_start3A_18 : memref<1x96x128xf32, #tpu.memory_space<vmem>> -> memref<96x128xf32, #tpu.memory_space<vmem>>
      %dma_start3A_20 = arith.constant 0 : i32
      %dma_start3A_21 = tpu.memref_slice %arg7[%dma_start3A, %dma_start3A_20] : memref<54x96xi32, #tpu.memory_space<vmem>> -> memref<1x96xi32, #tpu.memory_space<vmem>>
      %dma_start3A_22 = tpu.memref_squeeze %dma_start3A_21 : memref<1x96xi32, #tpu.memory_space<vmem>> -> memref<96xi32, #tpu.memory_space<vmem>>
      %dma_start3A_23 = arith.constant 0 : i32
      %dma_start3A_24 = arith.constant 0 : i32
      %dma_start3A_25 = tpu.memref_slice %arg2[%dma_start3A_23, %dma_start3A_24] : memref<10000x128xf32, #tpu.memory_space<hbm>> -> memref<10000x128xf32, #tpu.memory_space<hbm>>
      tpu.enqueue_indirect_dma source(%dma_start3A_25 : memref<10000x128xf32, #tpu.memory_space<hbm>>) target(%dma_start3A_19 : memref<96x128xf32, #tpu.memory_space<vmem>>) offsets(%dma_start3A_22 : memref<96xi32, #tpu.memory_space<vmem>>) semaphore(%arg11 : memref<!tpu.dma_semaphore, #tpu.memory_space<semaphore_mem>>)
      %dma_start3A_26 = arith.constant 1 : i32
      %dma_start3A_27 = arith.constant 1 : i32
      %dma_start3A_28 = arith.constant 0 : i32
      %dma_start3A_29 = arith.constant 0 : i32
      %dma_start3A_30 = tpu.memref_slice %arg9[%dma_start3A_27, %dma_start3A_28, %dma_start3A_29] : memref<3x96x128xf32, #tpu.memory_space<vmem>> -> memref<1x96x128xf32, #tpu.memory_space<vmem>>
      %dma_start3A_31 = tpu.memref_squeeze %dma_start3A_30 : memref<1x96x128xf32, #tpu.memory_space<vmem>> -> memref<96x128xf32, #tpu.memory_space<vmem>>
      %dma_start3A_32 = arith.constant 0 : i32
      %dma_start3A_33 = tpu.memref_slice %arg7[%dma_start3A_26, %dma_start3A_32] : memref<54x96xi32, #tpu.memory_space<vmem>> -> memref<1x96xi32, #tpu.memory_space<vmem>>
      %dma_start3A_34 = tpu.memref_squeeze %dma_start3A_33 : memref<1x96xi32, #tpu.memory_space<vmem>> -> memref<96xi32, #tpu.memory_space<vmem>>
      %dma_start3A_35 = arith.constant 0 : i32
      %dma_start3A_36 = arith.constant 0 : i32
      %dma_start3A_37 = tpu.memref_slice %arg2[%dma_start3A_35, %dma_start3A_36] : memref<10000x128xf32, #tpu.memory_space<hbm>> -> memref<10000x128xf32, #tpu.memory_space<hbm>>
      tpu.enqueue_indirect_dma source(%dma_start3A_37 : memref<10000x128xf32, #tpu.memory_space<hbm>>) target(%dma_start3A_31 : memref<96x128xf32, #tpu.memory_space<vmem>>) offsets(%dma_start3A_34 : memref<96xi32, #tpu.memory_space<vmem>>) semaphore(%arg11 : memref<!tpu.dma_semaphore, #tpu.memory_space<semaphore_mem>>)
      %scan3A_38 = arith.constant 0 : i32
      %scan3A_39 = arith.constant 0 : i32
      %scan3A_40 = arith.constant 18 : i32
      %scan3A_41 = arith.addi %scan3A_39, %scan3A_40 : i32
      %scan3A_42 = arith.constant 1 : i32
      scf.for %scan3A_55 = %scan3A_39 to %scan3A_41 step %scan3A_42  : i32 {
        %mul3A_56 = arith.constant 3 : i32
        %mul3A_57 = arith.muli %scan3A_55, %mul3A_56 : i32
        %add3A_58 = arith.constant 0 : i32
        %add3A_59 = arith.addi %mul3A_57, %add3A_58 : i32
        %jit3A = arith.constant 3 : i32
        %eq3A = arith.constant 0 : i32
        %eq3A_60 = arith.cmpi eq, %jit3A, %eq3A : i32
        %jit3A_61 = arith.constant 1 : i32
        %select_n3A = arith.select %eq3A_60, %jit3A_61, %jit3A : i32
        %rem3A = arith.remsi %add3A_59, %select_n3A : i32
        %ne3A = arith.constant 0 : i32
        %ne3A_62 = arith.cmpi ne, %rem3A, %ne3A : i32
        %lt3A = arith.constant 0 : i32
        %lt3A_63 = arith.cmpi slt, %rem3A, %lt3A : i32
        %lt3A_64 = arith.constant 0 : i32
        %lt3A_65 = arith.cmpi slt, %select_n3A, %lt3A_64 : i32
        %ne3A_66 = arith.xori %lt3A_63, %lt3A_65 : i1
        %and3A = arith.andi %ne3A_66, %ne3A_62 : i1
        %add3A_67 = arith.addi %rem3A, %select_n3A : i32
        %select_n3A_68 = arith.select %and3A, %add3A_67, %rem3A : i32
        %dma_wait3A_69 = arith.constant 0 : i32
        %dma_wait3A_70 = arith.constant 0 : i32
        %dma_wait3A_71 = tpu.memref_slice %arg9[%select_n3A_68, %dma_wait3A_69, %dma_wait3A_70] : memref<3x96x128xf32, #tpu.memory_space<vmem>> -> memref<1x96x128xf32, #tpu.memory_space<vmem>>
        %dma_wait3A_72 = tpu.memref_squeeze %dma_wait3A_71 : memref<1x96x128xf32, #tpu.memory_space<vmem>> -> memref<96x128xf32, #tpu.memory_space<vmem>>
        %dma_wait3A_73 = arith.constant 0 : i32
        %dma_wait3A_74 = tpu.memref_slice %arg7[%add3A_59, %dma_wait3A_73] : memref<54x96xi32, #tpu.memory_space<vmem>> -> memref<1x96xi32, #tpu.memory_space<vmem>>
        %dma_wait3A_75 = tpu.memref_squeeze %dma_wait3A_74 : memref<1x96xi32, #tpu.memory_space<vmem>> -> memref<96xi32, #tpu.memory_space<vmem>>
        %dma_wait3A_76 = arith.constant 0 : i32
        %dma_wait3A_77 = arith.constant 0 : i32
        %dma_wait3A_78 = tpu.memref_slice %arg2[%dma_wait3A_76, %dma_wait3A_77] : memref<10000x128xf32, #tpu.memory_space<hbm>> -> memref<10000x128xf32, #tpu.memory_space<hbm>>
        tpu.wait_indirect_dma semaphore(%arg11 : memref<!tpu.dma_semaphore, #tpu.memory_space<semaphore_mem>>) src(%dma_wait3A_78 : memref<10000x128xf32, #tpu.memory_space<hbm>>) dst(%dma_wait3A_72 : memref<96x128xf32, #tpu.memory_space<vmem>>)
        %dma_start3A_79 = arith.constant 0 : i32
        %dma_start3A_80 = arith.constant 0 : i32
        %dma_start3A_81 = tpu.memref_slice %arg9[%select_n3A_68, %dma_start3A_79, %dma_start3A_80] : memref<3x96x128xf32, #tpu.memory_space<vmem>> -> memref<1x96x128xf32, #tpu.memory_space<vmem>>
        %dma_start3A_82 = tpu.memref_squeeze %dma_start3A_81 : memref<1x96x128xf32, #tpu.memory_space<vmem>> -> memref<96x128xf32, #tpu.memory_space<vmem>>
        %dma_start3A_83 = arith.constant 0 : i32
        %dma_start3A_84 = tpu.memref_slice %arg8[%add3A_59, %dma_start3A_83] : memref<54x96xi32, #tpu.memory_space<vmem>> -> memref<1x96xi32, #tpu.memory_space<vmem>>
        %dma_start3A_85 = tpu.memref_squeeze %dma_start3A_84 : memref<1x96xi32, #tpu.memory_space<vmem>> -> memref<96xi32, #tpu.memory_space<vmem>>
        %dma_start3A_86 = arith.constant 0 : i32
        %dma_start3A_87 = arith.constant 0 : i32
        %dma_start3A_88 = tpu.memref_slice %arg10[%dma_start3A_86, %dma_start3A_87] : memref<10240x128xf32, #tpu.memory_space<vmem_shared>> -> memref<10240x128xf32, #tpu.memory_space<vmem_shared>>
        tpu.enqueue_indirect_dma source(%dma_start3A_82 : memref<96x128xf32, #tpu.memory_space<vmem>>) target(%dma_start3A_88 : memref<10240x128xf32, #tpu.memory_space<vmem_shared>>) offsets(%dma_start3A_85 : memref<96xi32, #tpu.memory_space<vmem>>) semaphore(%arg12 : memref<!tpu.dma_semaphore, #tpu.memory_space<semaphore_mem>>) {add = true}
        %ge3A = arith.constant 1 : i32
        %ge3A_89 = arith.cmpi sge, %add3A_59, %ge3A : i32
        %convert_element_type3A = arith.extui %ge3A_89 : i1 to i32
        %cond3A = arith.constant 0 : i32
        %cond3A_90 = arith.cmpi ne, %convert_element_type3A, %cond3A : i32
        scf.if %cond3A_90 {
          %dma_wait3A_202 = arith.constant 0 : i32
          %dma_wait3A_203 = arith.constant 0 : i32
          %dma_wait3A_204 = tpu.memref_slice %arg9[%select_n3A_68, %dma_wait3A_202, %dma_wait3A_203] : memref<3x96x128xf32, #tpu.memory_space<vmem>> -> memref<1x96x128xf32, #tpu.memory_space<vmem>>
          %dma_wait3A_205 = tpu.memref_squeeze %dma_wait3A_204 : memref<1x96x128xf32, #tpu.memory_space<vmem>> -> memref<96x128xf32, #tpu.memory_space<vmem>>
          %dma_wait3A_206 = arith.constant 0 : i32
          %dma_wait3A_207 = tpu.memref_slice %arg8[%add3A_59, %dma_wait3A_206] : memref<54x96xi32, #tpu.memory_space<vmem>> -> memref<1x96xi32, #tpu.memory_space<vmem>>
          %dma_wait3A_208 = tpu.memref_squeeze %dma_wait3A_207 : memref<1x96xi32, #tpu.memory_space<vmem>> -> memref<96xi32, #tpu.memory_space<vmem>>
          %dma_wait3A_209 = arith.constant 0 : i32
          %dma_wait3A_210 = arith.constant 0 : i32
          %dma_wait3A_211 = tpu.memref_slice %arg10[%dma_wait3A_209, %dma_wait3A_210] : memref<10240x128xf32, #tpu.memory_space<vmem_shared>> -> memref<10240x128xf32, #tpu.memory_space<vmem_shared>>
          tpu.wait_indirect_dma semaphore(%arg12 : memref<!tpu.dma_semaphore, #tpu.memory_space<semaphore_mem>>) src(%dma_wait3A_205 : memref<96x128xf32, #tpu.memory_space<vmem>>) dst(%dma_wait3A_211 : memref<10240x128xf32, #tpu.memory_space<vmem_shared>>)
        } else {
        }
        %add3A_91 = arith.constant 2 : i32
        %add3A_92 = arith.addi %add3A_59, %add3A_91 : i32
        %lt3A_93 = arith.constant 54 : i32
        %lt3A_94 = arith.cmpi slt, %add3A_92, %lt3A_93 : i32
        %convert_element_type3A_95 = arith.extui %lt3A_94 : i1 to i32
        %cond3A_96 = arith.constant 0 : i32
        %cond3A_97 = arith.cmpi ne, %convert_element_type3A_95, %cond3A_96 : i32
        scf.if %cond3A_97 {
          %add3A_202 = arith.constant 2 : i32
          %add3A_203 = arith.addi %add3A_59, %add3A_202 : i32
          %add3A_204 = arith.constant 2 : i32
          %add3A_205 = arith.addi %add3A_59, %add3A_204 : i32
          %jit3A_206 = arith.constant 3 : i32
          %eq3A_207 = arith.constant 0 : i32
          %eq3A_208 = arith.cmpi eq, %jit3A_206, %eq3A_207 : i32
          %jit3A_209 = arith.constant 1 : i32
          %select_n3A_210 = arith.select %eq3A_208, %jit3A_209, %jit3A_206 : i32
          %rem3A_211 = arith.remsi %add3A_205, %select_n3A_210 : i32
          %ne3A_212 = arith.constant 0 : i32
          %ne3A_213 = arith.cmpi ne, %rem3A_211, %ne3A_212 : i32
          %lt3A_214 = arith.constant 0 : i32
          %lt3A_215 = arith.cmpi slt, %rem3A_211, %lt3A_214 : i32
          %lt3A_216 = arith.constant 0 : i32
          %lt3A_217 = arith.cmpi slt, %select_n3A_210, %lt3A_216 : i32
          %ne3A_218 = arith.xori %lt3A_215, %lt3A_217 : i1
          %and3A_219 = arith.andi %ne3A_218, %ne3A_213 : i1
          %add3A_220 = arith.addi %rem3A_211, %select_n3A_210 : i32
          %select_n3A_221 = arith.select %and3A_219, %add3A_220, %rem3A_211 : i32
          %dma_start3A_222 = arith.constant 0 : i32
          %dma_start3A_223 = arith.constant 0 : i32
          %dma_start3A_224 = tpu.memref_slice %arg9[%select_n3A_221, %dma_start3A_222, %dma_start3A_223] : memref<3x96x128xf32, #tpu.memory_space<vmem>> -> memref<1x96x128xf32, #tpu.memory_space<vmem>>
          %dma_start3A_225 = tpu.memref_squeeze %dma_start3A_224 : memref<1x96x128xf32, #tpu.memory_space<vmem>> -> memref<96x128xf32, #tpu.memory_space<vmem>>
          %dma_start3A_226 = arith.constant 0 : i32
          %dma_start3A_227 = tpu.memref_slice %arg7[%add3A_203, %dma_start3A_226] : memref<54x96xi32, #tpu.memory_space<vmem>> -> memref<1x96xi32, #tpu.memory_space<vmem>>
          %dma_start3A_228 = tpu.memref_squeeze %dma_start3A_227 : memref<1x96xi32, #tpu.memory_space<vmem>> -> memref<96xi32, #tpu.memory_space<vmem>>
          %dma_start3A_229 = arith.constant 0 : i32
          %dma_start3A_230 = arith.constant 0 : i32
          %dma_start3A_231 = tpu.memref_slice %arg2[%dma_start3A_229, %dma_start3A_230] : memref<10000x128xf32, #tpu.memory_space<hbm>> -> memref<10000x128xf32, #tpu.memory_space<hbm>>
          tpu.enqueue_indirect_dma source(%dma_start3A_231 : memref<10000x128xf32, #tpu.memory_space<hbm>>) target(%dma_start3A_225 : memref<96x128xf32, #tpu.memory_space<vmem>>) offsets(%dma_start3A_228 : memref<96xi32, #tpu.memory_space<vmem>>) semaphore(%arg11 : memref<!tpu.dma_semaphore, #tpu.memory_space<semaphore_mem>>)
        } else {
        }
        %mul3A_98 = arith.constant 3 : i32
        %mul3A_99 = arith.muli %scan3A_55, %mul3A_98 : i32
        %add3A_100 = arith.constant 1 : i32
        %add3A_101 = arith.addi %mul3A_99, %add3A_100 : i32
        %jit3A_102 = arith.constant 3 : i32
        %eq3A_103 = arith.constant 0 : i32
        %eq3A_104 = arith.cmpi eq, %jit3A_102, %eq3A_103 : i32
        %jit3A_105 = arith.constant 1 : i32
        %select_n3A_106 = arith.select %eq3A_104, %jit3A_105, %jit3A_102 : i32
        %rem3A_107 = arith.remsi %add3A_101, %select_n3A_106 : i32
        %ne3A_108 = arith.constant 0 : i32
        %ne3A_109 = arith.cmpi ne, %rem3A_107, %ne3A_108 : i32
        %lt3A_110 = arith.constant 0 : i32
        %lt3A_111 = arith.cmpi slt, %rem3A_107, %lt3A_110 : i32
        %lt3A_112 = arith.constant 0 : i32
        %lt3A_113 = arith.cmpi slt, %select_n3A_106, %lt3A_112 : i32
        %ne3A_114 = arith.xori %lt3A_111, %lt3A_113 : i1
        %and3A_115 = arith.andi %ne3A_114, %ne3A_109 : i1
        %add3A_116 = arith.addi %rem3A_107, %select_n3A_106 : i32
        %select_n3A_117 = arith.select %and3A_115, %add3A_116, %rem3A_107 : i32
        %dma_wait3A_118 = arith.constant 0 : i32
        %dma_wait3A_119 = arith.constant 0 : i32
        %dma_wait3A_120 = tpu.memref_slice %arg9[%select_n3A_117, %dma_wait3A_118, %dma_wait3A_119] : memref<3x96x128xf32, #tpu.memory_space<vmem>> -> memref<1x96x128xf32, #tpu.memory_space<vmem>>
        %dma_wait3A_121 = tpu.memref_squeeze %dma_wait3A_120 : memref<1x96x128xf32, #tpu.memory_space<vmem>> -> memref<96x128xf32, #tpu.memory_space<vmem>>
        %dma_wait3A_122 = arith.constant 0 : i32
        %dma_wait3A_123 = tpu.memref_slice %arg7[%add3A_101, %dma_wait3A_122] : memref<54x96xi32, #tpu.memory_space<vmem>> -> memref<1x96xi32, #tpu.memory_space<vmem>>
        %dma_wait3A_124 = tpu.memref_squeeze %dma_wait3A_123 : memref<1x96xi32, #tpu.memory_space<vmem>> -> memref<96xi32, #tpu.memory_space<vmem>>
        %dma_wait3A_125 = arith.constant 0 : i32
        %dma_wait3A_126 = arith.constant 0 : i32
        %dma_wait3A_127 = tpu.memref_slice %arg2[%dma_wait3A_125, %dma_wait3A_126] : memref<10000x128xf32, #tpu.memory_space<hbm>> -> memref<10000x128xf32, #tpu.memory_space<hbm>>
        tpu.wait_indirect_dma semaphore(%arg11 : memref<!tpu.dma_semaphore, #tpu.memory_space<semaphore_mem>>) src(%dma_wait3A_127 : memref<10000x128xf32, #tpu.memory_space<hbm>>) dst(%dma_wait3A_121 : memref<96x128xf32, #tpu.memory_space<vmem>>)
        %dma_start3A_128 = arith.constant 0 : i32
        %dma_start3A_129 = arith.constant 0 : i32
        %dma_start3A_130 = tpu.memref_slice %arg9[%select_n3A_117, %dma_start3A_128, %dma_start3A_129] : memref<3x96x128xf32, #tpu.memory_space<vmem>> -> memref<1x96x128xf32, #tpu.memory_space<vmem>>
        %dma_start3A_131 = tpu.memref_squeeze %dma_start3A_130 : memref<1x96x128xf32, #tpu.memory_space<vmem>> -> memref<96x128xf32, #tpu.memory_space<vmem>>
        %dma_start3A_132 = arith.constant 0 : i32
        %dma_start3A_133 = tpu.memref_slice %arg8[%add3A_101, %dma_start3A_132] : memref<54x96xi32, #tpu.memory_space<vmem>> -> memref<1x96xi32, #tpu.memory_space<vmem>>
        %dma_start3A_134 = tpu.memref_squeeze %dma_start3A_133 : memref<1x96xi32, #tpu.memory_space<vmem>> -> memref<96xi32, #tpu.memory_space<vmem>>
        %dma_start3A_135 = arith.constant 0 : i32
        %dma_start3A_136 = arith.constant 0 : i32
        %dma_start3A_137 = tpu.memref_slice %arg10[%dma_start3A_135, %dma_start3A_136] : memref<10240x128xf32, #tpu.memory_space<vmem_shared>> -> memref<10240x128xf32, #tpu.memory_space<vmem_shared>>
        tpu.enqueue_indirect_dma source(%dma_start3A_131 : memref<96x128xf32, #tpu.memory_space<vmem>>) target(%dma_start3A_137 : memref<10240x128xf32, #tpu.memory_space<vmem_shared>>) offsets(%dma_start3A_134 : memref<96xi32, #tpu.memory_space<vmem>>) semaphore(%arg12 : memref<!tpu.dma_semaphore, #tpu.memory_space<semaphore_mem>>) {add = true}
        %ge3A_138 = arith.constant 1 : i32
        %ge3A_139 = arith.cmpi sge, %add3A_101, %ge3A_138 : i32
        %convert_element_type3A_140 = arith.extui %ge3A_139 : i1 to i32
        %cond3A_141 = arith.constant 0 : i32
        %cond3A_142 = arith.cmpi ne, %convert_element_type3A_140, %cond3A_141 : i32
        scf.if %cond3A_142 {
          %dma_wait3A_202 = arith.constant 0 : i32
          %dma_wait3A_203 = arith.constant 0 : i32
          %dma_wait3A_204 = tpu.memref_slice %arg9[%select_n3A_117, %dma_wait3A_202, %dma_wait3A_203] : memref<3x96x128xf32, #tpu.memory_space<vmem>> -> memref<1x96x128xf32, #tpu.memory_space<vmem>>
          %dma_wait3A_205 = tpu.memref_squeeze %dma_wait3A_204 : memref<1x96x128xf32, #tpu.memory_space<vmem>> -> memref<96x128xf32, #tpu.memory_space<vmem>>
          %dma_wait3A_206 = arith.constant 0 : i32
          %dma_wait3A_207 = tpu.memref_slice %arg8[%add3A_101, %dma_wait3A_206] : memref<54x96xi32, #tpu.memory_space<vmem>> -> memref<1x96xi32, #tpu.memory_space<vmem>>
          %dma_wait3A_208 = tpu.memref_squeeze %dma_wait3A_207 : memref<1x96xi32, #tpu.memory_space<vmem>> -> memref<96xi32, #tpu.memory_space<vmem>>
          %dma_wait3A_209 = arith.constant 0 : i32
          %dma_wait3A_210 = arith.constant 0 : i32
          %dma_wait3A_211 = tpu.memref_slice %arg10[%dma_wait3A_209, %dma_wait3A_210] : memref<10240x128xf32, #tpu.memory_space<vmem_shared>> -> memref<10240x128xf32, #tpu.memory_space<vmem_shared>>
          tpu.wait_indirect_dma semaphore(%arg12 : memref<!tpu.dma_semaphore, #tpu.memory_space<semaphore_mem>>) src(%dma_wait3A_205 : memref<96x128xf32, #tpu.memory_space<vmem>>) dst(%dma_wait3A_211 : memref<10240x128xf32, #tpu.memory_space<vmem_shared>>)
        } else {
        }
        %add3A_143 = arith.constant 2 : i32
        %add3A_144 = arith.addi %add3A_101, %add3A_143 : i32
        %lt3A_145 = arith.constant 54 : i32
        %lt3A_146 = arith.cmpi slt, %add3A_144, %lt3A_145 : i32
        %convert_element_type3A_147 = arith.extui %lt3A_146 : i1 to i32
        %cond3A_148 = arith.constant 0 : i32
        %cond3A_149 = arith.cmpi ne, %convert_element_type3A_147, %cond3A_148 : i32
        scf.if %cond3A_149 {
          %add3A_202 = arith.constant 2 : i32
          %add3A_203 = arith.addi %add3A_101, %add3A_202 : i32
          %add3A_204 = arith.constant 2 : i32
          %add3A_205 = arith.addi %add3A_101, %add3A_204 : i32
          %jit3A_206 = arith.constant 3 : i32
          %eq3A_207 = arith.constant 0 : i32
          %eq3A_208 = arith.cmpi eq, %jit3A_206, %eq3A_207 : i32
          %jit3A_209 = arith.constant 1 : i32
          %select_n3A_210 = arith.select %eq3A_208, %jit3A_209, %jit3A_206 : i32
          %rem3A_211 = arith.remsi %add3A_205, %select_n3A_210 : i32
          %ne3A_212 = arith.constant 0 : i32
          %ne3A_213 = arith.cmpi ne, %rem3A_211, %ne3A_212 : i32
          %lt3A_214 = arith.constant 0 : i32
          %lt3A_215 = arith.cmpi slt, %rem3A_211, %lt3A_214 : i32
          %lt3A_216 = arith.constant 0 : i32
          %lt3A_217 = arith.cmpi slt, %select_n3A_210, %lt3A_216 : i32
          %ne3A_218 = arith.xori %lt3A_215, %lt3A_217 : i1
          %and3A_219 = arith.andi %ne3A_218, %ne3A_213 : i1
          %add3A_220 = arith.addi %rem3A_211, %select_n3A_210 : i32
          %select_n3A_221 = arith.select %and3A_219, %add3A_220, %rem3A_211 : i32
          %dma_start3A_222 = arith.constant 0 : i32
          %dma_start3A_223 = arith.constant 0 : i32
          %dma_start3A_224 = tpu.memref_slice %arg9[%select_n3A_221, %dma_start3A_222, %dma_start3A_223] : memref<3x96x128xf32, #tpu.memory_space<vmem>> -> memref<1x96x128xf32, #tpu.memory_space<vmem>>
          %dma_start3A_225 = tpu.memref_squeeze %dma_start3A_224 : memref<1x96x128xf32, #tpu.memory_space<vmem>> -> memref<96x128xf32, #tpu.memory_space<vmem>>
          %dma_start3A_226 = arith.constant 0 : i32
          %dma_start3A_227 = tpu.memref_slice %arg7[%add3A_203, %dma_start3A_226] : memref<54x96xi32, #tpu.memory_space<vmem>> -> memref<1x96xi32, #tpu.memory_space<vmem>>
          %dma_start3A_228 = tpu.memref_squeeze %dma_start3A_227 : memref<1x96xi32, #tpu.memory_space<vmem>> -> memref<96xi32, #tpu.memory_space<vmem>>
          %dma_start3A_229 = arith.constant 0 : i32
          %dma_start3A_230 = arith.constant 0 : i32
          %dma_start3A_231 = tpu.memref_slice %arg2[%dma_start3A_229, %dma_start3A_230] : memref<10000x128xf32, #tpu.memory_space<hbm>> -> memref<10000x128xf32, #tpu.memory_space<hbm>>
          tpu.enqueue_indirect_dma source(%dma_start3A_231 : memref<10000x128xf32, #tpu.memory_space<hbm>>) target(%dma_start3A_225 : memref<96x128xf32, #tpu.memory_space<vmem>>) offsets(%dma_start3A_228 : memref<96xi32, #tpu.memory_space<vmem>>) semaphore(%arg11 : memref<!tpu.dma_semaphore, #tpu.memory_space<semaphore_mem>>)
        } else {
        }
        %mul3A_150 = arith.constant 3 : i32
        %mul3A_151 = arith.muli %scan3A_55, %mul3A_150 : i32
        %add3A_152 = arith.constant 2 : i32
        %add3A_153 = arith.addi %mul3A_151, %add3A_152 : i32
        %jit3A_154 = arith.constant 3 : i32
        %eq3A_155 = arith.constant 0 : i32
        %eq3A_156 = arith.cmpi eq, %jit3A_154, %eq3A_155 : i32
        %jit3A_157 = arith.constant 1 : i32
        %select_n3A_158 = arith.select %eq3A_156, %jit3A_157, %jit3A_154 : i32
        %rem3A_159 = arith.remsi %add3A_153, %select_n3A_158 : i32
        %ne3A_160 = arith.constant 0 : i32
        %ne3A_161 = arith.cmpi ne, %rem3A_159, %ne3A_160 : i32
        %lt3A_162 = arith.constant 0 : i32
        %lt3A_163 = arith.cmpi slt, %rem3A_159, %lt3A_162 : i32
        %lt3A_164 = arith.constant 0 : i32
        %lt3A_165 = arith.cmpi slt, %select_n3A_158, %lt3A_164 : i32
        %ne3A_166 = arith.xori %lt3A_163, %lt3A_165 : i1
        %and3A_167 = arith.andi %ne3A_166, %ne3A_161 : i1
        %add3A_168 = arith.addi %rem3A_159, %select_n3A_158 : i32
        %select_n3A_169 = arith.select %and3A_167, %add3A_168, %rem3A_159 : i32
        %dma_wait3A_170 = arith.constant 0 : i32
        %dma_wait3A_171 = arith.constant 0 : i32
        %dma_wait3A_172 = tpu.memref_slice %arg9[%select_n3A_169, %dma_wait3A_170, %dma_wait3A_171] : memref<3x96x128xf32, #tpu.memory_space<vmem>> -> memref<1x96x128xf32, #tpu.memory_space<vmem>>
        %dma_wait3A_173 = tpu.memref_squeeze %dma_wait3A_172 : memref<1x96x128xf32, #tpu.memory_space<vmem>> -> memref<96x128xf32, #tpu.memory_space<vmem>>
        %dma_wait3A_174 = arith.constant 0 : i32
        %dma_wait3A_175 = tpu.memref_slice %arg7[%add3A_153, %dma_wait3A_174] : memref<54x96xi32, #tpu.memory_space<vmem>> -> memref<1x96xi32, #tpu.memory_space<vmem>>
        %dma_wait3A_176 = tpu.memref_squeeze %dma_wait3A_175 : memref<1x96xi32, #tpu.memory_space<vmem>> -> memref<96xi32, #tpu.memory_space<vmem>>
        %dma_wait3A_177 = arith.constant 0 : i32
        %dma_wait3A_178 = arith.constant 0 : i32
        %dma_wait3A_179 = tpu.memref_slice %arg2[%dma_wait3A_177, %dma_wait3A_178] : memref<10000x128xf32, #tpu.memory_space<hbm>> -> memref<10000x128xf32, #tpu.memory_space<hbm>>
        tpu.wait_indirect_dma semaphore(%arg11 : memref<!tpu.dma_semaphore, #tpu.memory_space<semaphore_mem>>) src(%dma_wait3A_179 : memref<10000x128xf32, #tpu.memory_space<hbm>>) dst(%dma_wait3A_173 : memref<96x128xf32, #tpu.memory_space<vmem>>)
        %dma_start3A_180 = arith.constant 0 : i32
        %dma_start3A_181 = arith.constant 0 : i32
        %dma_start3A_182 = tpu.memref_slice %arg9[%select_n3A_169, %dma_start3A_180, %dma_start3A_181] : memref<3x96x128xf32, #tpu.memory_space<vmem>> -> memref<1x96x128xf32, #tpu.memory_space<vmem>>
        %dma_start3A_183 = tpu.memref_squeeze %dma_start3A_182 : memref<1x96x128xf32, #tpu.memory_space<vmem>> -> memref<96x128xf32, #tpu.memory_space<vmem>>
        %dma_start3A_184 = arith.constant 0 : i32
        %dma_start3A_185 = tpu.memref_slice %arg8[%add3A_153, %dma_start3A_184] : memref<54x96xi32, #tpu.memory_space<vmem>> -> memref<1x96xi32, #tpu.memory_space<vmem>>
        %dma_start3A_186 = tpu.memref_squeeze %dma_start3A_185 : memref<1x96xi32, #tpu.memory_space<vmem>> -> memref<96xi32, #tpu.memory_space<vmem>>
        %dma_start3A_187 = arith.constant 0 : i32
        %dma_start3A_188 = arith.constant 0 : i32
        %dma_start3A_189 = tpu.memref_slice %arg10[%dma_start3A_187, %dma_start3A_188] : memref<10240x128xf32, #tpu.memory_space<vmem_shared>> -> memref<10240x128xf32, #tpu.memory_space<vmem_shared>>
        tpu.enqueue_indirect_dma source(%dma_start3A_183 : memref<96x128xf32, #tpu.memory_space<vmem>>) target(%dma_start3A_189 : memref<10240x128xf32, #tpu.memory_space<vmem_shared>>) offsets(%dma_start3A_186 : memref<96xi32, #tpu.memory_space<vmem>>) semaphore(%arg12 : memref<!tpu.dma_semaphore, #tpu.memory_space<semaphore_mem>>) {add = true}
        %ge3A_190 = arith.constant 1 : i32
        %ge3A_191 = arith.cmpi sge, %add3A_153, %ge3A_190 : i32
        %convert_element_type3A_192 = arith.extui %ge3A_191 : i1 to i32
        %cond3A_193 = arith.constant 0 : i32
        %cond3A_194 = arith.cmpi ne, %convert_element_type3A_192, %cond3A_193 : i32
        scf.if %cond3A_194 {
          %dma_wait3A_202 = arith.constant 0 : i32
          %dma_wait3A_203 = arith.constant 0 : i32
          %dma_wait3A_204 = tpu.memref_slice %arg9[%select_n3A_169, %dma_wait3A_202, %dma_wait3A_203] : memref<3x96x128xf32, #tpu.memory_space<vmem>> -> memref<1x96x128xf32, #tpu.memory_space<vmem>>
          %dma_wait3A_205 = tpu.memref_squeeze %dma_wait3A_204 : memref<1x96x128xf32, #tpu.memory_space<vmem>> -> memref<96x128xf32, #tpu.memory_space<vmem>>
          %dma_wait3A_206 = arith.constant 0 : i32
          %dma_wait3A_207 = tpu.memref_slice %arg8[%add3A_153, %dma_wait3A_206] : memref<54x96xi32, #tpu.memory_space<vmem>> -> memref<1x96xi32, #tpu.memory_space<vmem>>
          %dma_wait3A_208 = tpu.memref_squeeze %dma_wait3A_207 : memref<1x96xi32, #tpu.memory_space<vmem>> -> memref<96xi32, #tpu.memory_space<vmem>>
          %dma_wait3A_209 = arith.constant 0 : i32
          %dma_wait3A_210 = arith.constant 0 : i32
          %dma_wait3A_211 = tpu.memref_slice %arg10[%dma_wait3A_209, %dma_wait3A_210] : memref<10240x128xf32, #tpu.memory_space<vmem_shared>> -> memref<10240x128xf32, #tpu.memory_space<vmem_shared>>
          tpu.wait_indirect_dma semaphore(%arg12 : memref<!tpu.dma_semaphore, #tpu.memory_space<semaphore_mem>>) src(%dma_wait3A_205 : memref<96x128xf32, #tpu.memory_space<vmem>>) dst(%dma_wait3A_211 : memref<10240x128xf32, #tpu.memory_space<vmem_shared>>)
        } else {
        }
        %add3A_195 = arith.constant 2 : i32
        %add3A_196 = arith.addi %add3A_153, %add3A_195 : i32
        %lt3A_197 = arith.constant 54 : i32
        %lt3A_198 = arith.cmpi slt, %add3A_196, %lt3A_197 : i32
        %convert_element_type3A_199 = arith.extui %lt3A_198 : i1 to i32
        %cond3A_200 = arith.constant 0 : i32
        %cond3A_201 = arith.cmpi ne, %convert_element_type3A_199, %cond3A_200 : i32
        scf.if %cond3A_201 {
          %add3A_202 = arith.constant 2 : i32
          %add3A_203 = arith.addi %add3A_153, %add3A_202 : i32
          %add3A_204 = arith.constant 2 : i32
          %add3A_205 = arith.addi %add3A_153, %add3A_204 : i32
          %jit3A_206 = arith.constant 3 : i32
          %eq3A_207 = arith.constant 0 : i32
          %eq3A_208 = arith.cmpi eq, %jit3A_206, %eq3A_207 : i32
          %jit3A_209 = arith.constant 1 : i32
          %select_n3A_210 = arith.select %eq3A_208, %jit3A_209, %jit3A_206 : i32
          %rem3A_211 = arith.remsi %add3A_205, %select_n3A_210 : i32
          %ne3A_212 = arith.constant 0 : i32
          %ne3A_213 = arith.cmpi ne, %rem3A_211, %ne3A_212 : i32
          %lt3A_214 = arith.constant 0 : i32
          %lt3A_215 = arith.cmpi slt, %rem3A_211, %lt3A_214 : i32
          %lt3A_216 = arith.constant 0 : i32
          %lt3A_217 = arith.cmpi slt, %select_n3A_210, %lt3A_216 : i32
          %ne3A_218 = arith.xori %lt3A_215, %lt3A_217 : i1
          %and3A_219 = arith.andi %ne3A_218, %ne3A_213 : i1
          %add3A_220 = arith.addi %rem3A_211, %select_n3A_210 : i32
          %select_n3A_221 = arith.select %and3A_219, %add3A_220, %rem3A_211 : i32
          %dma_start3A_222 = arith.constant 0 : i32
          %dma_start3A_223 = arith.constant 0 : i32
          %dma_start3A_224 = tpu.memref_slice %arg9[%select_n3A_221, %dma_start3A_222, %dma_start3A_223] : memref<3x96x128xf32, #tpu.memory_space<vmem>> -> memref<1x96x128xf32, #tpu.memory_space<vmem>>
          %dma_start3A_225 = tpu.memref_squeeze %dma_start3A_224 : memref<1x96x128xf32, #tpu.memory_space<vmem>> -> memref<96x128xf32, #tpu.memory_space<vmem>>
          %dma_start3A_226 = arith.constant 0 : i32
          %dma_start3A_227 = tpu.memref_slice %arg7[%add3A_203, %dma_start3A_226] : memref<54x96xi32, #tpu.memory_space<vmem>> -> memref<1x96xi32, #tpu.memory_space<vmem>>
          %dma_start3A_228 = tpu.memref_squeeze %dma_start3A_227 : memref<1x96xi32, #tpu.memory_space<vmem>> -> memref<96xi32, #tpu.memory_space<vmem>>
          %dma_start3A_229 = arith.constant 0 : i32
          %dma_start3A_230 = arith.constant 0 : i32
          %dma_start3A_231 = tpu.memref_slice %arg2[%dma_start3A_229, %dma_start3A_230] : memref<10000x128xf32, #tpu.memory_space<hbm>> -> memref<10000x128xf32, #tpu.memory_space<hbm>>
          tpu.enqueue_indirect_dma source(%dma_start3A_231 : memref<10000x128xf32, #tpu.memory_space<hbm>>) target(%dma_start3A_225 : memref<96x128xf32, #tpu.memory_space<vmem>>) offsets(%dma_start3A_228 : memref<96xi32, #tpu.memory_space<vmem>>) semaphore(%arg11 : memref<!tpu.dma_semaphore, #tpu.memory_space<semaphore_mem>>)
        } else {
        }
      }
      %scan3A_43 = arith.constant 18 : i32
      %dma_wait3A = arith.constant 0 : i32
      %dma_wait3A_44 = arith.constant 0 : i32
      %dma_wait3A_45 = arith.constant 0 : i32
      %dma_wait3A_46 = arith.constant 0 : i32
      %dma_wait3A_47 = tpu.memref_slice %arg9[%dma_wait3A, %dma_wait3A_45, %dma_wait3A_46] : memref<3x96x128xf32, #tpu.memory_space<vmem>> -> memref<1x96x128xf32, #tpu.memory_space<vmem>>
      %dma_wait3A_48 = tpu.memref_squeeze %dma_wait3A_47 : memref<1x96x128xf32, #tpu.memory_space<vmem>> -> memref<96x128xf32, #tpu.memory_space<vmem>>
      %dma_wait3A_49 = arith.constant 0 : i32
      %dma_wait3A_50 = tpu.memref_slice %arg8[%dma_wait3A_44, %dma_wait3A_49] : memref<54x96xi32, #tpu.memory_space<vmem>> -> memref<1x96xi32, #tpu.memory_space<vmem>>
      %dma_wait3A_51 = tpu.memref_squeeze %dma_wait3A_50 : memref<1x96xi32, #tpu.memory_space<vmem>> -> memref<96xi32, #tpu.memory_space<vmem>>
      %dma_wait3A_52 = arith.constant 0 : i32
      %dma_wait3A_53 = arith.constant 0 : i32
      %dma_wait3A_54 = tpu.memref_slice %arg10[%dma_wait3A_52, %dma_wait3A_53] : memref<10240x128xf32, #tpu.memory_space<vmem_shared>> -> memref<10240x128xf32, #tpu.memory_space<vmem_shared>>
      tpu.wait_indirect_dma semaphore(%arg12 : memref<!tpu.dma_semaphore, #tpu.memory_space<semaphore_mem>>) src(%dma_wait3A_48 : memref<96x128xf32, #tpu.memory_space<vmem>>) dst(%dma_wait3A_54 : memref<10240x128xf32, #tpu.memory_space<vmem_shared>>)
    }
    %scan3A_7 = arith.constant 2 : i32
    %barrier3A_8 = arith.constant 0 : index
    tpu.barrier barrier_id(%barrier3A_8)
    "tpu.region"() ({
      %run_scoped3A = tpu.sem_alloc : memref<!tpu.dma_semaphore, #tpu.memory_space<semaphore_mem>>
      %dma_start3A = arith.constant 0 : i32
      %dma_start3A_9 = tpu.memref_slice %arg6[%arg0, %mul3A_2, %dma_start3A] : memref<2x10240x128xf32, #tpu.memory_space<hbm>> -> memref<1x640x128xf32, #tpu.memory_space<hbm>>
      %dma_start3A_10 = tpu.memref_squeeze %dma_start3A_9 : memref<1x640x128xf32, #tpu.memory_space<hbm>> -> memref<640x128xf32, #tpu.memory_space<hbm>>
      %dma_start3A_11 = arith.constant 0 : i32
      %dma_start3A_12 = tpu.memref_slice %arg10[%mul3A_2, %dma_start3A_11] : memref<10240x128xf32, #tpu.memory_space<vmem_shared>> -> memref<640x128xf32, #tpu.memory_space<vmem_shared>>
      tpu.enqueue_dma source(%dma_start3A_12 : memref<640x128xf32, #tpu.memory_space<vmem_shared>>) target(%dma_start3A_10 : memref<640x128xf32, #tpu.memory_space<hbm>>) target_semaphore(%run_scoped3A : memref<!tpu.dma_semaphore, #tpu.memory_space<semaphore_mem>>)
      %dma_wait3A = arith.constant 0 : i32
      %dma_wait3A_13 = tpu.memref_slice %arg6[%arg0, %mul3A_2, %dma_wait3A] : memref<2x10240x128xf32, #tpu.memory_space<hbm>> -> memref<1x640x128xf32, #tpu.memory_space<hbm>>
      %dma_wait3A_14 = tpu.memref_squeeze %dma_wait3A_13 : memref<1x640x128xf32, #tpu.memory_space<hbm>> -> memref<640x128xf32, #tpu.memory_space<hbm>>
      %dma_wait3A_15 = arith.constant 0 : i32
      %dma_wait3A_16 = tpu.memref_slice %arg10[%mul3A_2, %dma_wait3A_15] : memref<10240x128xf32, #tpu.memory_space<vmem_shared>> -> memref<640x128xf32, #tpu.memory_space<vmem_shared>>
      tpu.wait_dma2 semaphore(%run_scoped3A : memref<!tpu.dma_semaphore, #tpu.memory_space<semaphore_mem>>) src(%dma_wait3A_16 : memref<640x128xf32, #tpu.memory_space<vmem_shared>>) dst(%dma_wait3A_14 : memref<640x128xf32, #tpu.memory_space<hbm>>)
      tpu.yield
    }) : () -> ()
    return
  }
}

#map = affine_map<(d0, d1) -> (0, 0)>
#map1 = affine_map<(d0, d1) -> (0, 0, 0)>
module attributes {stable_mosaic.version = 14 : i64} {
  func.func @_sc_aggregate(%arg0: i32, %arg1: i32, %arg2: memref<10000x128xf32, #tpu.memory_space<hbm>>, %arg3: memref<3456x96xi32, #tpu.memory_space<hbm>>, %arg4: memref<3456x96xi32, #tpu.memory_space<hbm>>, %arg5: memref<10240x128xf32, #tpu.memory_space<hbm>>, %arg6: memref<2x10240x128xf32, #tpu.memory_space<hbm>>, %arg7: memref<54x96xi32, #tpu.memory_space<vmem>>, %arg8: memref<54x96xi32, #tpu.memory_space<vmem>>, %arg9: memref<3x96x128xf32, #tpu.memory_space<vmem>>, %arg10: memref<10240x128xf32, #tpu.memory_space<vmem_shared>>, %arg11: memref<!tpu.dma_semaphore, #tpu.memory_space<semaphore_mem>>, %arg12: memref<!tpu.dma_semaphore, #tpu.memory_space<semaphore_mem>>) attributes {dimension_semantics = [#tpu.dimension_semantics<core_parallel>, #tpu.dimension_semantics<subcore_parallel>], iteration_bounds = array<i64: 2, 16>, scalar_prefetch = 0 : i64, scratch_operands = 6 : i64, tpu.core_type = #tpu.core_type<sc_vector_subcore>, window_params = [{transform_indices = #map}, {transform_indices = #map}, {transform_indices = #map}, {transform_indices = #map}, {transform_indices = #map1}]} {
    %mul3A = arith.constant 16 : i32
    %mul3A_0 = arith.muli %arg0, %mul3A : i32
    %add3A = arith.addi %mul3A_0, %arg1 : i32
    %mul3A_1 = arith.constant 640 : i32
    %mul3A_2 = arith.muli %arg1, %mul3A_1 : i32
    "tpu.region"() ({
      %run_scoped3A = tpu.sem_alloc : memref<!tpu.dma_semaphore, #tpu.memory_space<semaphore_mem>>
      %dma_start3A = arith.constant 0 : i32
      %dma_start3A_9 = tpu.memref_slice %arg10[%mul3A_2, %dma_start3A] : memref<10240x128xf32, #tpu.memory_space<vmem_shared>> -> memref<640x128xf32, #tpu.memory_space<vmem_shared>>
      %dma_start3A_10 = arith.constant 0 : i32
      %dma_start3A_11 = tpu.memref_slice %arg5[%mul3A_2, %dma_start3A_10] : memref<10240x128xf32, #tpu.memory_space<hbm>> -> memref<640x128xf32, #tpu.memory_space<hbm>>
      tpu.enqueue_dma source(%dma_start3A_11 : memref<640x128xf32, #tpu.memory_space<hbm>>) target(%dma_start3A_9 : memref<640x128xf32, #tpu.memory_space<vmem_shared>>) target_semaphore(%run_scoped3A : memref<!tpu.dma_semaphore, #tpu.memory_space<semaphore_mem>>)
      %dma_wait3A = arith.constant 0 : i32
      %dma_wait3A_12 = tpu.memref_slice %arg10[%mul3A_2, %dma_wait3A] : memref<10240x128xf32, #tpu.memory_space<vmem_shared>> -> memref<640x128xf32, #tpu.memory_space<vmem_shared>>
      %dma_wait3A_13 = arith.constant 0 : i32
      %dma_wait3A_14 = tpu.memref_slice %arg5[%mul3A_2, %dma_wait3A_13] : memref<10240x128xf32, #tpu.memory_space<hbm>> -> memref<640x128xf32, #tpu.memory_space<hbm>>
      tpu.wait_dma2 semaphore(%run_scoped3A : memref<!tpu.dma_semaphore, #tpu.memory_space<semaphore_mem>>) src(%dma_wait3A_14 : memref<640x128xf32, #tpu.memory_space<hbm>>) dst(%dma_wait3A_12 : memref<640x128xf32, #tpu.memory_space<vmem_shared>>)
      tpu.yield
    }) : () -> ()
    %barrier3A = arith.constant 0 : index
    tpu.barrier barrier_id(%barrier3A)
    %scan3A = arith.constant 0 : i32
    %scan3A_3 = arith.constant 0 : i32
    %scan3A_4 = arith.constant 2 : i32
    %scan3A_5 = arith.addi %scan3A_3, %scan3A_4 : i32
    %scan3A_6 = arith.constant 1 : i32
    scf.for %scan3A_9 = %scan3A_3 to %scan3A_5 step %scan3A_6  : i32 {
      %mul3A_10 = arith.constant 108 : i32
      %mul3A_11 = arith.muli %add3A, %mul3A_10 : i32
      %mul3A_12 = arith.constant 54 : i32
      %mul3A_13 = arith.muli %scan3A_9, %mul3A_12 : i32
      %add3A_14 = arith.addi %mul3A_11, %mul3A_13 : i32
      "tpu.region"() ({
        %run_scoped3A = tpu.sem_alloc : memref<!tpu.dma_semaphore, #tpu.memory_space<semaphore_mem>>
        %dma_start3A_55 = arith.constant 0 : i32
        %dma_start3A_56 = tpu.memref_slice %arg3[%add3A_14, %dma_start3A_55] : memref<3456x96xi32, #tpu.memory_space<hbm>> -> memref<54x96xi32, #tpu.memory_space<hbm>>
        %dma_start3A_57 = arith.constant 0 : i32
        %dma_start3A_58 = tpu.memref_slice %arg3[%add3A_14, %dma_start3A_57] : memref<3456x96xi32, #tpu.memory_space<hbm>> -> memref<54x96xi32, #tpu.memory_space<hbm>>
        tpu.enqueue_dma source(%dma_start3A_58 : memref<54x96xi32, #tpu.memory_space<hbm>>) target(%arg7 : memref<54x96xi32, #tpu.memory_space<vmem>>) target_semaphore(%run_scoped3A : memref<!tpu.dma_semaphore, #tpu.memory_space<semaphore_mem>>)
        %dma_wait3A_59 = arith.constant 0 : i32
        %dma_wait3A_60 = tpu.memref_slice %arg3[%add3A_14, %dma_wait3A_59] : memref<3456x96xi32, #tpu.memory_space<hbm>> -> memref<54x96xi32, #tpu.memory_space<hbm>>
        %dma_wait3A_61 = arith.constant 0 : i32
        %dma_wait3A_62 = tpu.memref_slice %arg3[%add3A_14, %dma_wait3A_61] : memref<3456x96xi32, #tpu.memory_space<hbm>> -> memref<54x96xi32, #tpu.memory_space<hbm>>
        tpu.wait_dma2 semaphore(%run_scoped3A : memref<!tpu.dma_semaphore, #tpu.memory_space<semaphore_mem>>) src(%dma_wait3A_62 : memref<54x96xi32, #tpu.memory_space<hbm>>) dst(%arg7 : memref<54x96xi32, #tpu.memory_space<vmem>>)
        tpu.yield
      }) : () -> ()
      "tpu.region"() ({
        %run_scoped3A = tpu.sem_alloc : memref<!tpu.dma_semaphore, #tpu.memory_space<semaphore_mem>>
        %dma_start3A_55 = arith.constant 0 : i32
        %dma_start3A_56 = tpu.memref_slice %arg4[%add3A_14, %dma_start3A_55] : memref<3456x96xi32, #tpu.memory_space<hbm>> -> memref<54x96xi32, #tpu.memory_space<hbm>>
        %dma_start3A_57 = arith.constant 0 : i32
        %dma_start3A_58 = tpu.memref_slice %arg4[%add3A_14, %dma_start3A_57] : memref<3456x96xi32, #tpu.memory_space<hbm>> -> memref<54x96xi32, #tpu.memory_space<hbm>>
        tpu.enqueue_dma source(%dma_start3A_58 : memref<54x96xi32, #tpu.memory_space<hbm>>) target(%arg8 : memref<54x96xi32, #tpu.memory_space<vmem>>) target_semaphore(%run_scoped3A : memref<!tpu.dma_semaphore, #tpu.memory_space<semaphore_mem>>)
        %dma_wait3A_59 = arith.constant 0 : i32
        %dma_wait3A_60 = tpu.memref_slice %arg4[%add3A_14, %dma_wait3A_59] : memref<3456x96xi32, #tpu.memory_space<hbm>> -> memref<54x96xi32, #tpu.memory_space<hbm>>
        %dma_wait3A_61 = arith.constant 0 : i32
        %dma_wait3A_62 = tpu.memref_slice %arg4[%add3A_14, %dma_wait3A_61] : memref<3456x96xi32, #tpu.memory_space<hbm>> -> memref<54x96xi32, #tpu.memory_space<hbm>>
        tpu.wait_dma2 semaphore(%run_scoped3A : memref<!tpu.dma_semaphore, #tpu.memory_space<semaphore_mem>>) src(%dma_wait3A_62 : memref<54x96xi32, #tpu.memory_space<hbm>>) dst(%arg8 : memref<54x96xi32, #tpu.memory_space<vmem>>)
        tpu.yield
      }) : () -> ()
      %dma_start3A = arith.constant 0 : i32
      %dma_start3A_15 = arith.constant 0 : i32
      %dma_start3A_16 = arith.constant 0 : i32
      %dma_start3A_17 = arith.constant 0 : i32
      %dma_start3A_18 = tpu.memref_slice %arg9[%dma_start3A_15, %dma_start3A_16, %dma_start3A_17] : memref<3x96x128xf32, #tpu.memory_space<vmem>> -> memref<1x96x128xf32, #tpu.memory_space<vmem>>
      %dma_start3A_19 = tpu.memref_squeeze %dma_start3A_18 : memref<1x96x128xf32, #tpu.memory_space<vmem>> -> memref<96x128xf32, #tpu.memory_space<vmem>>
      %dma_start3A_20 = arith.constant 0 : i32
      %dma_start3A_21 = tpu.memref_slice %arg7[%dma_start3A, %dma_start3A_20] : memref<54x96xi32, #tpu.memory_space<vmem>> -> memref<1x96xi32, #tpu.memory_space<vmem>>
      %dma_start3A_22 = tpu.memref_squeeze %dma_start3A_21 : memref<1x96xi32, #tpu.memory_space<vmem>> -> memref<96xi32, #tpu.memory_space<vmem>>
      %dma_start3A_23 = arith.constant 0 : i32
      %dma_start3A_24 = arith.constant 0 : i32
      %dma_start3A_25 = tpu.memref_slice %arg2[%dma_start3A_23, %dma_start3A_24] : memref<10000x128xf32, #tpu.memory_space<hbm>> -> memref<10000x128xf32, #tpu.memory_space<hbm>>
      tpu.enqueue_indirect_dma source(%dma_start3A_25 : memref<10000x128xf32, #tpu.memory_space<hbm>>) target(%dma_start3A_19 : memref<96x128xf32, #tpu.memory_space<vmem>>) offsets(%dma_start3A_22 : memref<96xi32, #tpu.memory_space<vmem>>) semaphore(%arg11 : memref<!tpu.dma_semaphore, #tpu.memory_space<semaphore_mem>>)
      %dma_start3A_26 = arith.constant 1 : i32
      %dma_start3A_27 = arith.constant 1 : i32
      %dma_start3A_28 = arith.constant 0 : i32
      %dma_start3A_29 = arith.constant 0 : i32
      %dma_start3A_30 = tpu.memref_slice %arg9[%dma_start3A_27, %dma_start3A_28, %dma_start3A_29] : memref<3x96x128xf32, #tpu.memory_space<vmem>> -> memref<1x96x128xf32, #tpu.memory_space<vmem>>
      %dma_start3A_31 = tpu.memref_squeeze %dma_start3A_30 : memref<1x96x128xf32, #tpu.memory_space<vmem>> -> memref<96x128xf32, #tpu.memory_space<vmem>>
      %dma_start3A_32 = arith.constant 0 : i32
      %dma_start3A_33 = tpu.memref_slice %arg7[%dma_start3A_26, %dma_start3A_32] : memref<54x96xi32, #tpu.memory_space<vmem>> -> memref<1x96xi32, #tpu.memory_space<vmem>>
      %dma_start3A_34 = tpu.memref_squeeze %dma_start3A_33 : memref<1x96xi32, #tpu.memory_space<vmem>> -> memref<96xi32, #tpu.memory_space<vmem>>
      %dma_start3A_35 = arith.constant 0 : i32
      %dma_start3A_36 = arith.constant 0 : i32
      %dma_start3A_37 = tpu.memref_slice %arg2[%dma_start3A_35, %dma_start3A_36] : memref<10000x128xf32, #tpu.memory_space<hbm>> -> memref<10000x128xf32, #tpu.memory_space<hbm>>
      tpu.enqueue_indirect_dma source(%dma_start3A_37 : memref<10000x128xf32, #tpu.memory_space<hbm>>) target(%dma_start3A_31 : memref<96x128xf32, #tpu.memory_space<vmem>>) offsets(%dma_start3A_34 : memref<96xi32, #tpu.memory_space<vmem>>) semaphore(%arg11 : memref<!tpu.dma_semaphore, #tpu.memory_space<semaphore_mem>>)
      %scan3A_38 = arith.constant 0 : i32
      %scan3A_39 = arith.constant 0 : i32
      %scan3A_40 = arith.constant 18 : i32
      %scan3A_41 = arith.addi %scan3A_39, %scan3A_40 : i32
      %scan3A_42 = arith.constant 1 : i32
      scf.for %scan3A_55 = %scan3A_39 to %scan3A_41 step %scan3A_42  : i32 {
        %mul3A_56 = arith.constant 3 : i32
        %mul3A_57 = arith.muli %scan3A_55, %mul3A_56 : i32
        %add3A_58 = arith.constant 0 : i32
        %add3A_59 = arith.addi %mul3A_57, %add3A_58 : i32
        %jit3A = arith.constant 3 : i32
        %eq3A = arith.constant 0 : i32
        %eq3A_60 = arith.cmpi eq, %jit3A, %eq3A : i32
        %jit3A_61 = arith.constant 1 : i32
        %select_n3A = arith.select %eq3A_60, %jit3A_61, %jit3A : i32
        %rem3A = arith.remsi %add3A_59, %select_n3A : i32
        %ne3A = arith.constant 0 : i32
        %ne3A_62 = arith.cmpi ne, %rem3A, %ne3A : i32
        %lt3A = arith.constant 0 : i32
        %lt3A_63 = arith.cmpi slt, %rem3A, %lt3A : i32
        %lt3A_64 = arith.constant 0 : i32
        %lt3A_65 = arith.cmpi slt, %select_n3A, %lt3A_64 : i32
        %ne3A_66 = arith.xori %lt3A_63, %lt3A_65 : i1
        %and3A = arith.andi %ne3A_66, %ne3A_62 : i1
        %add3A_67 = arith.addi %rem3A, %select_n3A : i32
        %select_n3A_68 = arith.select %and3A, %add3A_67, %rem3A : i32
        %dma_wait3A_69 = arith.constant 0 : i32
        %dma_wait3A_70 = arith.constant 0 : i32
        %dma_wait3A_71 = tpu.memref_slice %arg9[%select_n3A_68, %dma_wait3A_69, %dma_wait3A_70] : memref<3x96x128xf32, #tpu.memory_space<vmem>> -> memref<1x96x128xf32, #tpu.memory_space<vmem>>
        %dma_wait3A_72 = tpu.memref_squeeze %dma_wait3A_71 : memref<1x96x128xf32, #tpu.memory_space<vmem>> -> memref<96x128xf32, #tpu.memory_space<vmem>>
        %dma_wait3A_73 = arith.constant 0 : i32
        %dma_wait3A_74 = tpu.memref_slice %arg7[%add3A_59, %dma_wait3A_73] : memref<54x96xi32, #tpu.memory_space<vmem>> -> memref<1x96xi32, #tpu.memory_space<vmem>>
        %dma_wait3A_75 = tpu.memref_squeeze %dma_wait3A_74 : memref<1x96xi32, #tpu.memory_space<vmem>> -> memref<96xi32, #tpu.memory_space<vmem>>
        %dma_wait3A_76 = arith.constant 0 : i32
        %dma_wait3A_77 = arith.constant 0 : i32
        %dma_wait3A_78 = tpu.memref_slice %arg2[%dma_wait3A_76, %dma_wait3A_77] : memref<10000x128xf32, #tpu.memory_space<hbm>> -> memref<10000x128xf32, #tpu.memory_space<hbm>>
        tpu.wait_indirect_dma semaphore(%arg11 : memref<!tpu.dma_semaphore, #tpu.memory_space<semaphore_mem>>) src(%dma_wait3A_78 : memref<10000x128xf32, #tpu.memory_space<hbm>>) dst(%dma_wait3A_72 : memref<96x128xf32, #tpu.memory_space<vmem>>)
        %dma_start3A_79 = arith.constant 0 : i32
        %dma_start3A_80 = arith.constant 0 : i32
        %dma_start3A_81 = tpu.memref_slice %arg9[%select_n3A_68, %dma_start3A_79, %dma_start3A_80] : memref<3x96x128xf32, #tpu.memory_space<vmem>> -> memref<1x96x128xf32, #tpu.memory_space<vmem>>
        %dma_start3A_82 = tpu.memref_squeeze %dma_start3A_81 : memref<1x96x128xf32, #tpu.memory_space<vmem>> -> memref<96x128xf32, #tpu.memory_space<vmem>>
        %dma_start3A_83 = arith.constant 0 : i32
        %dma_start3A_84 = tpu.memref_slice %arg8[%add3A_59, %dma_start3A_83] : memref<54x96xi32, #tpu.memory_space<vmem>> -> memref<1x96xi32, #tpu.memory_space<vmem>>
        %dma_start3A_85 = tpu.memref_squeeze %dma_start3A_84 : memref<1x96xi32, #tpu.memory_space<vmem>> -> memref<96xi32, #tpu.memory_space<vmem>>
        %dma_start3A_86 = arith.constant 0 : i32
        %dma_start3A_87 = arith.constant 0 : i32
        %dma_start3A_88 = tpu.memref_slice %arg10[%dma_start3A_86, %dma_start3A_87] : memref<10240x128xf32, #tpu.memory_space<vmem_shared>> -> memref<10240x128xf32, #tpu.memory_space<vmem_shared>>
        tpu.enqueue_indirect_dma source(%dma_start3A_82 : memref<96x128xf32, #tpu.memory_space<vmem>>) target(%dma_start3A_88 : memref<10240x128xf32, #tpu.memory_space<vmem_shared>>) offsets(%dma_start3A_85 : memref<96xi32, #tpu.memory_space<vmem>>) semaphore(%arg12 : memref<!tpu.dma_semaphore, #tpu.memory_space<semaphore_mem>>) {add = true}
        %ge3A = arith.constant 1 : i32
        %ge3A_89 = arith.cmpi sge, %add3A_59, %ge3A : i32
        %convert_element_type3A = arith.extui %ge3A_89 : i1 to i32
        %cond3A = arith.constant 0 : i32
        %cond3A_90 = arith.cmpi ne, %convert_element_type3A, %cond3A : i32
        scf.if %cond3A_90 {
          %dma_wait3A_202 = arith.constant 0 : i32
          %dma_wait3A_203 = arith.constant 0 : i32
          %dma_wait3A_204 = tpu.memref_slice %arg9[%select_n3A_68, %dma_wait3A_202, %dma_wait3A_203] : memref<3x96x128xf32, #tpu.memory_space<vmem>> -> memref<1x96x128xf32, #tpu.memory_space<vmem>>
          %dma_wait3A_205 = tpu.memref_squeeze %dma_wait3A_204 : memref<1x96x128xf32, #tpu.memory_space<vmem>> -> memref<96x128xf32, #tpu.memory_space<vmem>>
          %dma_wait3A_206 = arith.constant 0 : i32
          %dma_wait3A_207 = tpu.memref_slice %arg8[%add3A_59, %dma_wait3A_206] : memref<54x96xi32, #tpu.memory_space<vmem>> -> memref<1x96xi32, #tpu.memory_space<vmem>>
          %dma_wait3A_208 = tpu.memref_squeeze %dma_wait3A_207 : memref<1x96xi32, #tpu.memory_space<vmem>> -> memref<96xi32, #tpu.memory_space<vmem>>
          %dma_wait3A_209 = arith.constant 0 : i32
          %dma_wait3A_210 = arith.constant 0 : i32
          %dma_wait3A_211 = tpu.memref_slice %arg10[%dma_wait3A_209, %dma_wait3A_210] : memref<10240x128xf32, #tpu.memory_space<vmem_shared>> -> memref<10240x128xf32, #tpu.memory_space<vmem_shared>>
          tpu.wait_indirect_dma semaphore(%arg12 : memref<!tpu.dma_semaphore, #tpu.memory_space<semaphore_mem>>) src(%dma_wait3A_205 : memref<96x128xf32, #tpu.memory_space<vmem>>) dst(%dma_wait3A_211 : memref<10240x128xf32, #tpu.memory_space<vmem_shared>>)
        } else {
        }
        %add3A_91 = arith.constant 2 : i32
        %add3A_92 = arith.addi %add3A_59, %add3A_91 : i32
        %lt3A_93 = arith.constant 54 : i32
        %lt3A_94 = arith.cmpi slt, %add3A_92, %lt3A_93 : i32
        %convert_element_type3A_95 = arith.extui %lt3A_94 : i1 to i32
        %cond3A_96 = arith.constant 0 : i32
        %cond3A_97 = arith.cmpi ne, %convert_element_type3A_95, %cond3A_96 : i32
        scf.if %cond3A_97 {
          %add3A_202 = arith.constant 2 : i32
          %add3A_203 = arith.addi %add3A_59, %add3A_202 : i32
          %add3A_204 = arith.constant 2 : i32
          %add3A_205 = arith.addi %add3A_59, %add3A_204 : i32
          %jit3A_206 = arith.constant 3 : i32
          %eq3A_207 = arith.constant 0 : i32
          %eq3A_208 = arith.cmpi eq, %jit3A_206, %eq3A_207 : i32
          %jit3A_209 = arith.constant 1 : i32
          %select_n3A_210 = arith.select %eq3A_208, %jit3A_209, %jit3A_206 : i32
          %rem3A_211 = arith.remsi %add3A_205, %select_n3A_210 : i32
          %ne3A_212 = arith.constant 0 : i32
          %ne3A_213 = arith.cmpi ne, %rem3A_211, %ne3A_212 : i32
          %lt3A_214 = arith.constant 0 : i32
          %lt3A_215 = arith.cmpi slt, %rem3A_211, %lt3A_214 : i32
          %lt3A_216 = arith.constant 0 : i32
          %lt3A_217 = arith.cmpi slt, %select_n3A_210, %lt3A_216 : i32
          %ne3A_218 = arith.xori %lt3A_215, %lt3A_217 : i1
          %and3A_219 = arith.andi %ne3A_218, %ne3A_213 : i1
          %add3A_220 = arith.addi %rem3A_211, %select_n3A_210 : i32
          %select_n3A_221 = arith.select %and3A_219, %add3A_220, %rem3A_211 : i32
          %dma_start3A_222 = arith.constant 0 : i32
          %dma_start3A_223 = arith.constant 0 : i32
          %dma_start3A_224 = tpu.memref_slice %arg9[%select_n3A_221, %dma_start3A_222, %dma_start3A_223] : memref<3x96x128xf32, #tpu.memory_space<vmem>> -> memref<1x96x128xf32, #tpu.memory_space<vmem>>
          %dma_start3A_225 = tpu.memref_squeeze %dma_start3A_224 : memref<1x96x128xf32, #tpu.memory_space<vmem>> -> memref<96x128xf32, #tpu.memory_space<vmem>>
          %dma_start3A_226 = arith.constant 0 : i32
          %dma_start3A_227 = tpu.memref_slice %arg7[%add3A_203, %dma_start3A_226] : memref<54x96xi32, #tpu.memory_space<vmem>> -> memref<1x96xi32, #tpu.memory_space<vmem>>
          %dma_start3A_228 = tpu.memref_squeeze %dma_start3A_227 : memref<1x96xi32, #tpu.memory_space<vmem>> -> memref<96xi32, #tpu.memory_space<vmem>>
          %dma_start3A_229 = arith.constant 0 : i32
          %dma_start3A_230 = arith.constant 0 : i32
          %dma_start3A_231 = tpu.memref_slice %arg2[%dma_start3A_229, %dma_start3A_230] : memref<10000x128xf32, #tpu.memory_space<hbm>> -> memref<10000x128xf32, #tpu.memory_space<hbm>>
          tpu.enqueue_indirect_dma source(%dma_start3A_231 : memref<10000x128xf32, #tpu.memory_space<hbm>>) target(%dma_start3A_225 : memref<96x128xf32, #tpu.memory_space<vmem>>) offsets(%dma_start3A_228 : memref<96xi32, #tpu.memory_space<vmem>>) semaphore(%arg11 : memref<!tpu.dma_semaphore, #tpu.memory_space<semaphore_mem>>)
        } else {
        }
        %mul3A_98 = arith.constant 3 : i32
        %mul3A_99 = arith.muli %scan3A_55, %mul3A_98 : i32
        %add3A_100 = arith.constant 1 : i32
        %add3A_101 = arith.addi %mul3A_99, %add3A_100 : i32
        %jit3A_102 = arith.constant 3 : i32
        %eq3A_103 = arith.constant 0 : i32
        %eq3A_104 = arith.cmpi eq, %jit3A_102, %eq3A_103 : i32
        %jit3A_105 = arith.constant 1 : i32
        %select_n3A_106 = arith.select %eq3A_104, %jit3A_105, %jit3A_102 : i32
        %rem3A_107 = arith.remsi %add3A_101, %select_n3A_106 : i32
        %ne3A_108 = arith.constant 0 : i32
        %ne3A_109 = arith.cmpi ne, %rem3A_107, %ne3A_108 : i32
        %lt3A_110 = arith.constant 0 : i32
        %lt3A_111 = arith.cmpi slt, %rem3A_107, %lt3A_110 : i32
        %lt3A_112 = arith.constant 0 : i32
        %lt3A_113 = arith.cmpi slt, %select_n3A_106, %lt3A_112 : i32
        %ne3A_114 = arith.xori %lt3A_111, %lt3A_113 : i1
        %and3A_115 = arith.andi %ne3A_114, %ne3A_109 : i1
        %add3A_116 = arith.addi %rem3A_107, %select_n3A_106 : i32
        %select_n3A_117 = arith.select %and3A_115, %add3A_116, %rem3A_107 : i32
        %dma_wait3A_118 = arith.constant 0 : i32
        %dma_wait3A_119 = arith.constant 0 : i32
        %dma_wait3A_120 = tpu.memref_slice %arg9[%select_n3A_117, %dma_wait3A_118, %dma_wait3A_119] : memref<3x96x128xf32, #tpu.memory_space<vmem>> -> memref<1x96x128xf32, #tpu.memory_space<vmem>>
        %dma_wait3A_121 = tpu.memref_squeeze %dma_wait3A_120 : memref<1x96x128xf32, #tpu.memory_space<vmem>> -> memref<96x128xf32, #tpu.memory_space<vmem>>
        %dma_wait3A_122 = arith.constant 0 : i32
        %dma_wait3A_123 = tpu.memref_slice %arg7[%add3A_101, %dma_wait3A_122] : memref<54x96xi32, #tpu.memory_space<vmem>> -> memref<1x96xi32, #tpu.memory_space<vmem>>
        %dma_wait3A_124 = tpu.memref_squeeze %dma_wait3A_123 : memref<1x96xi32, #tpu.memory_space<vmem>> -> memref<96xi32, #tpu.memory_space<vmem>>
        %dma_wait3A_125 = arith.constant 0 : i32
        %dma_wait3A_126 = arith.constant 0 : i32
        %dma_wait3A_127 = tpu.memref_slice %arg2[%dma_wait3A_125, %dma_wait3A_126] : memref<10000x128xf32, #tpu.memory_space<hbm>> -> memref<10000x128xf32, #tpu.memory_space<hbm>>
        tpu.wait_indirect_dma semaphore(%arg11 : memref<!tpu.dma_semaphore, #tpu.memory_space<semaphore_mem>>) src(%dma_wait3A_127 : memref<10000x128xf32, #tpu.memory_space<hbm>>) dst(%dma_wait3A_121 : memref<96x128xf32, #tpu.memory_space<vmem>>)
        %dma_start3A_128 = arith.constant 0 : i32
        %dma_start3A_129 = arith.constant 0 : i32
        %dma_start3A_130 = tpu.memref_slice %arg9[%select_n3A_117, %dma_start3A_128, %dma_start3A_129] : memref<3x96x128xf32, #tpu.memory_space<vmem>> -> memref<1x96x128xf32, #tpu.memory_space<vmem>>
        %dma_start3A_131 = tpu.memref_squeeze %dma_start3A_130 : memref<1x96x128xf32, #tpu.memory_space<vmem>> -> memref<96x128xf32, #tpu.memory_space<vmem>>
        %dma_start3A_132 = arith.constant 0 : i32
        %dma_start3A_133 = tpu.memref_slice %arg8[%add3A_101, %dma_start3A_132] : memref<54x96xi32, #tpu.memory_space<vmem>> -> memref<1x96xi32, #tpu.memory_space<vmem>>
        %dma_start3A_134 = tpu.memref_squeeze %dma_start3A_133 : memref<1x96xi32, #tpu.memory_space<vmem>> -> memref<96xi32, #tpu.memory_space<vmem>>
        %dma_start3A_135 = arith.constant 0 : i32
        %dma_start3A_136 = arith.constant 0 : i32
        %dma_start3A_137 = tpu.memref_slice %arg10[%dma_start3A_135, %dma_start3A_136] : memref<10240x128xf32, #tpu.memory_space<vmem_shared>> -> memref<10240x128xf32, #tpu.memory_space<vmem_shared>>
        tpu.enqueue_indirect_dma source(%dma_start3A_131 : memref<96x128xf32, #tpu.memory_space<vmem>>) target(%dma_start3A_137 : memref<10240x128xf32, #tpu.memory_space<vmem_shared>>) offsets(%dma_start3A_134 : memref<96xi32, #tpu.memory_space<vmem>>) semaphore(%arg12 : memref<!tpu.dma_semaphore, #tpu.memory_space<semaphore_mem>>) {add = true}
        %ge3A_138 = arith.constant 1 : i32
        %ge3A_139 = arith.cmpi sge, %add3A_101, %ge3A_138 : i32
        %convert_element_type3A_140 = arith.extui %ge3A_139 : i1 to i32
        %cond3A_141 = arith.constant 0 : i32
        %cond3A_142 = arith.cmpi ne, %convert_element_type3A_140, %cond3A_141 : i32
        scf.if %cond3A_142 {
          %dma_wait3A_202 = arith.constant 0 : i32
          %dma_wait3A_203 = arith.constant 0 : i32
          %dma_wait3A_204 = tpu.memref_slice %arg9[%select_n3A_117, %dma_wait3A_202, %dma_wait3A_203] : memref<3x96x128xf32, #tpu.memory_space<vmem>> -> memref<1x96x128xf32, #tpu.memory_space<vmem>>
          %dma_wait3A_205 = tpu.memref_squeeze %dma_wait3A_204 : memref<1x96x128xf32, #tpu.memory_space<vmem>> -> memref<96x128xf32, #tpu.memory_space<vmem>>
          %dma_wait3A_206 = arith.constant 0 : i32
          %dma_wait3A_207 = tpu.memref_slice %arg8[%add3A_101, %dma_wait3A_206] : memref<54x96xi32, #tpu.memory_space<vmem>> -> memref<1x96xi32, #tpu.memory_space<vmem>>
          %dma_wait3A_208 = tpu.memref_squeeze %dma_wait3A_207 : memref<1x96xi32, #tpu.memory_space<vmem>> -> memref<96xi32, #tpu.memory_space<vmem>>
          %dma_wait3A_209 = arith.constant 0 : i32
          %dma_wait3A_210 = arith.constant 0 : i32
          %dma_wait3A_211 = tpu.memref_slice %arg10[%dma_wait3A_209, %dma_wait3A_210] : memref<10240x128xf32, #tpu.memory_space<vmem_shared>> -> memref<10240x128xf32, #tpu.memory_space<vmem_shared>>
          tpu.wait_indirect_dma semaphore(%arg12 : memref<!tpu.dma_semaphore, #tpu.memory_space<semaphore_mem>>) src(%dma_wait3A_205 : memref<96x128xf32, #tpu.memory_space<vmem>>) dst(%dma_wait3A_211 : memref<10240x128xf32, #tpu.memory_space<vmem_shared>>)
        } else {
        }
        %add3A_143 = arith.constant 2 : i32
        %add3A_144 = arith.addi %add3A_101, %add3A_143 : i32
        %lt3A_145 = arith.constant 54 : i32
        %lt3A_146 = arith.cmpi slt, %add3A_144, %lt3A_145 : i32
        %convert_element_type3A_147 = arith.extui %lt3A_146 : i1 to i32
        %cond3A_148 = arith.constant 0 : i32
        %cond3A_149 = arith.cmpi ne, %convert_element_type3A_147, %cond3A_148 : i32
        scf.if %cond3A_149 {
          %add3A_202 = arith.constant 2 : i32
          %add3A_203 = arith.addi %add3A_101, %add3A_202 : i32
          %add3A_204 = arith.constant 2 : i32
          %add3A_205 = arith.addi %add3A_101, %add3A_204 : i32
          %jit3A_206 = arith.constant 3 : i32
          %eq3A_207 = arith.constant 0 : i32
          %eq3A_208 = arith.cmpi eq, %jit3A_206, %eq3A_207 : i32
          %jit3A_209 = arith.constant 1 : i32
          %select_n3A_210 = arith.select %eq3A_208, %jit3A_209, %jit3A_206 : i32
          %rem3A_211 = arith.remsi %add3A_205, %select_n3A_210 : i32
          %ne3A_212 = arith.constant 0 : i32
          %ne3A_213 = arith.cmpi ne, %rem3A_211, %ne3A_212 : i32
          %lt3A_214 = arith.constant 0 : i32
          %lt3A_215 = arith.cmpi slt, %rem3A_211, %lt3A_214 : i32
          %lt3A_216 = arith.constant 0 : i32
          %lt3A_217 = arith.cmpi slt, %select_n3A_210, %lt3A_216 : i32
          %ne3A_218 = arith.xori %lt3A_215, %lt3A_217 : i1
          %and3A_219 = arith.andi %ne3A_218, %ne3A_213 : i1
          %add3A_220 = arith.addi %rem3A_211, %select_n3A_210 : i32
          %select_n3A_221 = arith.select %and3A_219, %add3A_220, %rem3A_211 : i32
          %dma_start3A_222 = arith.constant 0 : i32
          %dma_start3A_223 = arith.constant 0 : i32
          %dma_start3A_224 = tpu.memref_slice %arg9[%select_n3A_221, %dma_start3A_222, %dma_start3A_223] : memref<3x96x128xf32, #tpu.memory_space<vmem>> -> memref<1x96x128xf32, #tpu.memory_space<vmem>>
          %dma_start3A_225 = tpu.memref_squeeze %dma_start3A_224 : memref<1x96x128xf32, #tpu.memory_space<vmem>> -> memref<96x128xf32, #tpu.memory_space<vmem>>
          %dma_start3A_226 = arith.constant 0 : i32
          %dma_start3A_227 = tpu.memref_slice %arg7[%add3A_203, %dma_start3A_226] : memref<54x96xi32, #tpu.memory_space<vmem>> -> memref<1x96xi32, #tpu.memory_space<vmem>>
          %dma_start3A_228 = tpu.memref_squeeze %dma_start3A_227 : memref<1x96xi32, #tpu.memory_space<vmem>> -> memref<96xi32, #tpu.memory_space<vmem>>
          %dma_start3A_229 = arith.constant 0 : i32
          %dma_start3A_230 = arith.constant 0 : i32
          %dma_start3A_231 = tpu.memref_slice %arg2[%dma_start3A_229, %dma_start3A_230] : memref<10000x128xf32, #tpu.memory_space<hbm>> -> memref<10000x128xf32, #tpu.memory_space<hbm>>
          tpu.enqueue_indirect_dma source(%dma_start3A_231 : memref<10000x128xf32, #tpu.memory_space<hbm>>) target(%dma_start3A_225 : memref<96x128xf32, #tpu.memory_space<vmem>>) offsets(%dma_start3A_228 : memref<96xi32, #tpu.memory_space<vmem>>) semaphore(%arg11 : memref<!tpu.dma_semaphore, #tpu.memory_space<semaphore_mem>>)
        } else {
        }
        %mul3A_150 = arith.constant 3 : i32
        %mul3A_151 = arith.muli %scan3A_55, %mul3A_150 : i32
        %add3A_152 = arith.constant 2 : i32
        %add3A_153 = arith.addi %mul3A_151, %add3A_152 : i32
        %jit3A_154 = arith.constant 3 : i32
        %eq3A_155 = arith.constant 0 : i32
        %eq3A_156 = arith.cmpi eq, %jit3A_154, %eq3A_155 : i32
        %jit3A_157 = arith.constant 1 : i32
        %select_n3A_158 = arith.select %eq3A_156, %jit3A_157, %jit3A_154 : i32
        %rem3A_159 = arith.remsi %add3A_153, %select_n3A_158 : i32
        %ne3A_160 = arith.constant 0 : i32
        %ne3A_161 = arith.cmpi ne, %rem3A_159, %ne3A_160 : i32
        %lt3A_162 = arith.constant 0 : i32
        %lt3A_163 = arith.cmpi slt, %rem3A_159, %lt3A_162 : i32
        %lt3A_164 = arith.constant 0 : i32
        %lt3A_165 = arith.cmpi slt, %select_n3A_158, %lt3A_164 : i32
        %ne3A_166 = arith.xori %lt3A_163, %lt3A_165 : i1
        %and3A_167 = arith.andi %ne3A_166, %ne3A_161 : i1
        %add3A_168 = arith.addi %rem3A_159, %select_n3A_158 : i32
        %select_n3A_169 = arith.select %and3A_167, %add3A_168, %rem3A_159 : i32
        %dma_wait3A_170 = arith.constant 0 : i32
        %dma_wait3A_171 = arith.constant 0 : i32
        %dma_wait3A_172 = tpu.memref_slice %arg9[%select_n3A_169, %dma_wait3A_170, %dma_wait3A_171] : memref<3x96x128xf32, #tpu.memory_space<vmem>> -> memref<1x96x128xf32, #tpu.memory_space<vmem>>
        %dma_wait3A_173 = tpu.memref_squeeze %dma_wait3A_172 : memref<1x96x128xf32, #tpu.memory_space<vmem>> -> memref<96x128xf32, #tpu.memory_space<vmem>>
        %dma_wait3A_174 = arith.constant 0 : i32
        %dma_wait3A_175 = tpu.memref_slice %arg7[%add3A_153, %dma_wait3A_174] : memref<54x96xi32, #tpu.memory_space<vmem>> -> memref<1x96xi32, #tpu.memory_space<vmem>>
        %dma_wait3A_176 = tpu.memref_squeeze %dma_wait3A_175 : memref<1x96xi32, #tpu.memory_space<vmem>> -> memref<96xi32, #tpu.memory_space<vmem>>
        %dma_wait3A_177 = arith.constant 0 : i32
        %dma_wait3A_178 = arith.constant 0 : i32
        %dma_wait3A_179 = tpu.memref_slice %arg2[%dma_wait3A_177, %dma_wait3A_178] : memref<10000x128xf32, #tpu.memory_space<hbm>> -> memref<10000x128xf32, #tpu.memory_space<hbm>>
        tpu.wait_indirect_dma semaphore(%arg11 : memref<!tpu.dma_semaphore, #tpu.memory_space<semaphore_mem>>) src(%dma_wait3A_179 : memref<10000x128xf32, #tpu.memory_space<hbm>>) dst(%dma_wait3A_173 : memref<96x128xf32, #tpu.memory_space<vmem>>)
        %dma_start3A_180 = arith.constant 0 : i32
        %dma_start3A_181 = arith.constant 0 : i32
        %dma_start3A_182 = tpu.memref_slice %arg9[%select_n3A_169, %dma_start3A_180, %dma_start3A_181] : memref<3x96x128xf32, #tpu.memory_space<vmem>> -> memref<1x96x128xf32, #tpu.memory_space<vmem>>
        %dma_start3A_183 = tpu.memref_squeeze %dma_start3A_182 : memref<1x96x128xf32, #tpu.memory_space<vmem>> -> memref<96x128xf32, #tpu.memory_space<vmem>>
        %dma_start3A_184 = arith.constant 0 : i32
        %dma_start3A_185 = tpu.memref_slice %arg8[%add3A_153, %dma_start3A_184] : memref<54x96xi32, #tpu.memory_space<vmem>> -> memref<1x96xi32, #tpu.memory_space<vmem>>
        %dma_start3A_186 = tpu.memref_squeeze %dma_start3A_185 : memref<1x96xi32, #tpu.memory_space<vmem>> -> memref<96xi32, #tpu.memory_space<vmem>>
        %dma_start3A_187 = arith.constant 0 : i32
        %dma_start3A_188 = arith.constant 0 : i32
        %dma_start3A_189 = tpu.memref_slice %arg10[%dma_start3A_187, %dma_start3A_188] : memref<10240x128xf32, #tpu.memory_space<vmem_shared>> -> memref<10240x128xf32, #tpu.memory_space<vmem_shared>>
        tpu.enqueue_indirect_dma source(%dma_start3A_183 : memref<96x128xf32, #tpu.memory_space<vmem>>) target(%dma_start3A_189 : memref<10240x128xf32, #tpu.memory_space<vmem_shared>>) offsets(%dma_start3A_186 : memref<96xi32, #tpu.memory_space<vmem>>) semaphore(%arg12 : memref<!tpu.dma_semaphore, #tpu.memory_space<semaphore_mem>>) {add = true}
        %ge3A_190 = arith.constant 1 : i32
        %ge3A_191 = arith.cmpi sge, %add3A_153, %ge3A_190 : i32
        %convert_element_type3A_192 = arith.extui %ge3A_191 : i1 to i32
        %cond3A_193 = arith.constant 0 : i32
        %cond3A_194 = arith.cmpi ne, %convert_element_type3A_192, %cond3A_193 : i32
        scf.if %cond3A_194 {
          %dma_wait3A_202 = arith.constant 0 : i32
          %dma_wait3A_203 = arith.constant 0 : i32
          %dma_wait3A_204 = tpu.memref_slice %arg9[%select_n3A_169, %dma_wait3A_202, %dma_wait3A_203] : memref<3x96x128xf32, #tpu.memory_space<vmem>> -> memref<1x96x128xf32, #tpu.memory_space<vmem>>
          %dma_wait3A_205 = tpu.memref_squeeze %dma_wait3A_204 : memref<1x96x128xf32, #tpu.memory_space<vmem>> -> memref<96x128xf32, #tpu.memory_space<vmem>>
          %dma_wait3A_206 = arith.constant 0 : i32
          %dma_wait3A_207 = tpu.memref_slice %arg8[%add3A_153, %dma_wait3A_206] : memref<54x96xi32, #tpu.memory_space<vmem>> -> memref<1x96xi32, #tpu.memory_space<vmem>>
          %dma_wait3A_208 = tpu.memref_squeeze %dma_wait3A_207 : memref<1x96xi32, #tpu.memory_space<vmem>> -> memref<96xi32, #tpu.memory_space<vmem>>
          %dma_wait3A_209 = arith.constant 0 : i32
          %dma_wait3A_210 = arith.constant 0 : i32
          %dma_wait3A_211 = tpu.memref_slice %arg10[%dma_wait3A_209, %dma_wait3A_210] : memref<10240x128xf32, #tpu.memory_space<vmem_shared>> -> memref<10240x128xf32, #tpu.memory_space<vmem_shared>>
          tpu.wait_indirect_dma semaphore(%arg12 : memref<!tpu.dma_semaphore, #tpu.memory_space<semaphore_mem>>) src(%dma_wait3A_205 : memref<96x128xf32, #tpu.memory_space<vmem>>) dst(%dma_wait3A_211 : memref<10240x128xf32, #tpu.memory_space<vmem_shared>>)
        } else {
        }
        %add3A_195 = arith.constant 2 : i32
        %add3A_196 = arith.addi %add3A_153, %add3A_195 : i32
        %lt3A_197 = arith.constant 54 : i32
        %lt3A_198 = arith.cmpi slt, %add3A_196, %lt3A_197 : i32
        %convert_element_type3A_199 = arith.extui %lt3A_198 : i1 to i32
        %cond3A_200 = arith.constant 0 : i32
        %cond3A_201 = arith.cmpi ne, %convert_element_type3A_199, %cond3A_200 : i32
        scf.if %cond3A_201 {
          %add3A_202 = arith.constant 2 : i32
          %add3A_203 = arith.addi %add3A_153, %add3A_202 : i32
          %add3A_204 = arith.constant 2 : i32
          %add3A_205 = arith.addi %add3A_153, %add3A_204 : i32
          %jit3A_206 = arith.constant 3 : i32
          %eq3A_207 = arith.constant 0 : i32
          %eq3A_208 = arith.cmpi eq, %jit3A_206, %eq3A_207 : i32
          %jit3A_209 = arith.constant 1 : i32
          %select_n3A_210 = arith.select %eq3A_208, %jit3A_209, %jit3A_206 : i32
          %rem3A_211 = arith.remsi %add3A_205, %select_n3A_210 : i32
          %ne3A_212 = arith.constant 0 : i32
          %ne3A_213 = arith.cmpi ne, %rem3A_211, %ne3A_212 : i32
          %lt3A_214 = arith.constant 0 : i32
          %lt3A_215 = arith.cmpi slt, %rem3A_211, %lt3A_214 : i32
          %lt3A_216 = arith.constant 0 : i32
          %lt3A_217 = arith.cmpi slt, %select_n3A_210, %lt3A_216 : i32
          %ne3A_218 = arith.xori %lt3A_215, %lt3A_217 : i1
          %and3A_219 = arith.andi %ne3A_218, %ne3A_213 : i1
          %add3A_220 = arith.addi %rem3A_211, %select_n3A_210 : i32
          %select_n3A_221 = arith.select %and3A_219, %add3A_220, %rem3A_211 : i32
          %dma_start3A_222 = arith.constant 0 : i32
          %dma_start3A_223 = arith.constant 0 : i32
          %dma_start3A_224 = tpu.memref_slice %arg9[%select_n3A_221, %dma_start3A_222, %dma_start3A_223] : memref<3x96x128xf32, #tpu.memory_space<vmem>> -> memref<1x96x128xf32, #tpu.memory_space<vmem>>
          %dma_start3A_225 = tpu.memref_squeeze %dma_start3A_224 : memref<1x96x128xf32, #tpu.memory_space<vmem>> -> memref<96x128xf32, #tpu.memory_space<vmem>>
          %dma_start3A_226 = arith.constant 0 : i32
          %dma_start3A_227 = tpu.memref_slice %arg7[%add3A_203, %dma_start3A_226] : memref<54x96xi32, #tpu.memory_space<vmem>> -> memref<1x96xi32, #tpu.memory_space<vmem>>
          %dma_start3A_228 = tpu.memref_squeeze %dma_start3A_227 : memref<1x96xi32, #tpu.memory_space<vmem>> -> memref<96xi32, #tpu.memory_space<vmem>>
          %dma_start3A_229 = arith.constant 0 : i32
          %dma_start3A_230 = arith.constant 0 : i32
          %dma_start3A_231 = tpu.memref_slice %arg2[%dma_start3A_229, %dma_start3A_230] : memref<10000x128xf32, #tpu.memory_space<hbm>> -> memref<10000x128xf32, #tpu.memory_space<hbm>>
          tpu.enqueue_indirect_dma source(%dma_start3A_231 : memref<10000x128xf32, #tpu.memory_space<hbm>>) target(%dma_start3A_225 : memref<96x128xf32, #tpu.memory_space<vmem>>) offsets(%dma_start3A_228 : memref<96xi32, #tpu.memory_space<vmem>>) semaphore(%arg11 : memref<!tpu.dma_semaphore, #tpu.memory_space<semaphore_mem>>)
        } else {
        }
      }
      %scan3A_43 = arith.constant 18 : i32
      %dma_wait3A = arith.constant 0 : i32
      %dma_wait3A_44 = arith.constant 0 : i32
      %dma_wait3A_45 = arith.constant 0 : i32
      %dma_wait3A_46 = arith.constant 0 : i32
      %dma_wait3A_47 = tpu.memref_slice %arg9[%dma_wait3A, %dma_wait3A_45, %dma_wait3A_46] : memref<3x96x128xf32, #tpu.memory_space<vmem>> -> memref<1x96x128xf32, #tpu.memory_space<vmem>>
      %dma_wait3A_48 = tpu.memref_squeeze %dma_wait3A_47 : memref<1x96x128xf32, #tpu.memory_space<vmem>> -> memref<96x128xf32, #tpu.memory_space<vmem>>
      %dma_wait3A_49 = arith.constant 0 : i32
      %dma_wait3A_50 = tpu.memref_slice %arg8[%dma_wait3A_44, %dma_wait3A_49] : memref<54x96xi32, #tpu.memory_space<vmem>> -> memref<1x96xi32, #tpu.memory_space<vmem>>
      %dma_wait3A_51 = tpu.memref_squeeze %dma_wait3A_50 : memref<1x96xi32, #tpu.memory_space<vmem>> -> memref<96xi32, #tpu.memory_space<vmem>>
      %dma_wait3A_52 = arith.constant 0 : i32
      %dma_wait3A_53 = arith.constant 0 : i32
      %dma_wait3A_54 = tpu.memref_slice %arg10[%dma_wait3A_52, %dma_wait3A_53] : memref<10240x128xf32, #tpu.memory_space<vmem_shared>> -> memref<10240x128xf32, #tpu.memory_space<vmem_shared>>
      tpu.wait_indirect_dma semaphore(%arg12 : memref<!tpu.dma_semaphore, #tpu.memory_space<semaphore_mem>>) src(%dma_wait3A_48 : memref<96x128xf32, #tpu.memory_space<vmem>>) dst(%dma_wait3A_54 : memref<10240x128xf32, #tpu.memory_space<vmem_shared>>)
    }
    %scan3A_7 = arith.constant 2 : i32
    %barrier3A_8 = arith.constant 0 : index
    tpu.barrier barrier_id(%barrier3A_8)
    "tpu.region"() ({
      %run_scoped3A = tpu.sem_alloc : memref<!tpu.dma_semaphore, #tpu.memory_space<semaphore_mem>>
      %dma_start3A = arith.constant 0 : i32
      %dma_start3A_9 = tpu.memref_slice %arg6[%arg0, %mul3A_2, %dma_start3A] : memref<2x10240x128xf32, #tpu.memory_space<hbm>> -> memref<1x640x128xf32, #tpu.memory_space<hbm>>
      %dma_start3A_10 = tpu.memref_squeeze %dma_start3A_9 : memref<1x640x128xf32, #tpu.memory_space<hbm>> -> memref<640x128xf32, #tpu.memory_space<hbm>>
      %dma_start3A_11 = arith.constant 0 : i32
      %dma_start3A_12 = tpu.memref_slice %arg10[%mul3A_2, %dma_start3A_11] : memref<10240x128xf32, #tpu.memory_space<vmem_shared>> -> memref<640x128xf32, #tpu.memory_space<vmem_shared>>
      tpu.enqueue_dma source(%dma_start3A_12 : memref<640x128xf32, #tpu.memory_space<vmem_shared>>) target(%dma_start3A_10 : memref<640x128xf32, #tpu.memory_space<hbm>>) target_semaphore(%run_scoped3A : memref<!tpu.dma_semaphore, #tpu.memory_space<semaphore_mem>>)
      %dma_wait3A = arith.constant 0 : i32
      %dma_wait3A_13 = tpu.memref_slice %arg6[%arg0, %mul3A_2, %dma_wait3A] : memref<2x10240x128xf32, #tpu.memory_space<hbm>> -> memref<1x640x128xf32, #tpu.memory_space<hbm>>
      %dma_wait3A_14 = tpu.memref_squeeze %dma_wait3A_13 : memref<1x640x128xf32, #tpu.memory_space<hbm>> -> memref<640x128xf32, #tpu.memory_space<hbm>>
      %dma_wait3A_15 = arith.constant 0 : i32
      %dma_wait3A_16 = tpu.memref_slice %arg10[%mul3A_2, %dma_wait3A_15] : memref<10240x128xf32, #tpu.memory_space<vmem_shared>> -> memref<640x128xf32, #tpu.memory_space<vmem_shared>>
      tpu.wait_dma2 semaphore(%run_scoped3A : memref<!tpu.dma_semaphore, #tpu.memory_space<semaphore_mem>>) src(%dma_wait3A_16 : memref<640x128xf32, #tpu.memory_space<vmem_shared>>) dst(%dma_wait3A_14 : memref<640x128xf32, #tpu.memory_space<hbm>>)
      tpu.yield
    }) : () -> ()
    return
  }
}

#map = affine_map<(d0, d1) -> (0, 0)>
#map1 = affine_map<(d0, d1) -> (0, 0, 0)>
module attributes {stable_mosaic.version = 14 : i64} {
  func.func @_sc_aggregate(%arg0: i32, %arg1: i32, %arg2: memref<10000x128xf32, #tpu.memory_space<hbm>>, %arg3: memref<3456x96xi32, #tpu.memory_space<hbm>>, %arg4: memref<3456x96xi32, #tpu.memory_space<hbm>>, %arg5: memref<10240x128xf32, #tpu.memory_space<hbm>>, %arg6: memref<2x10240x128xf32, #tpu.memory_space<hbm>>, %arg7: memref<54x96xi32, #tpu.memory_space<vmem>>, %arg8: memref<54x96xi32, #tpu.memory_space<vmem>>, %arg9: memref<3x96x128xf32, #tpu.memory_space<vmem>>, %arg10: memref<10240x128xf32, #tpu.memory_space<vmem_shared>>, %arg11: memref<!tpu.dma_semaphore, #tpu.memory_space<semaphore_mem>>, %arg12: memref<!tpu.dma_semaphore, #tpu.memory_space<semaphore_mem>>) attributes {dimension_semantics = [#tpu.dimension_semantics<core_parallel>, #tpu.dimension_semantics<subcore_parallel>], iteration_bounds = array<i64: 2, 16>, scalar_prefetch = 0 : i64, scratch_operands = 6 : i64, tpu.core_type = #tpu.core_type<sc_vector_subcore>, window_params = [{transform_indices = #map}, {transform_indices = #map}, {transform_indices = #map}, {transform_indices = #map}, {transform_indices = #map1}]} {
    %mul3A = arith.constant 16 : i32
    %mul3A_0 = arith.muli %arg0, %mul3A : i32
    %add3A = arith.addi %mul3A_0, %arg1 : i32
    %mul3A_1 = arith.constant 640 : i32
    %mul3A_2 = arith.muli %arg1, %mul3A_1 : i32
    "tpu.region"() ({
      %run_scoped3A = tpu.sem_alloc : memref<!tpu.dma_semaphore, #tpu.memory_space<semaphore_mem>>
      %dma_start3A = arith.constant 0 : i32
      %dma_start3A_9 = tpu.memref_slice %arg10[%mul3A_2, %dma_start3A] : memref<10240x128xf32, #tpu.memory_space<vmem_shared>> -> memref<640x128xf32, #tpu.memory_space<vmem_shared>>
      %dma_start3A_10 = arith.constant 0 : i32
      %dma_start3A_11 = tpu.memref_slice %arg5[%mul3A_2, %dma_start3A_10] : memref<10240x128xf32, #tpu.memory_space<hbm>> -> memref<640x128xf32, #tpu.memory_space<hbm>>
      tpu.enqueue_dma source(%dma_start3A_11 : memref<640x128xf32, #tpu.memory_space<hbm>>) target(%dma_start3A_9 : memref<640x128xf32, #tpu.memory_space<vmem_shared>>) target_semaphore(%run_scoped3A : memref<!tpu.dma_semaphore, #tpu.memory_space<semaphore_mem>>)
      %dma_wait3A = arith.constant 0 : i32
      %dma_wait3A_12 = tpu.memref_slice %arg10[%mul3A_2, %dma_wait3A] : memref<10240x128xf32, #tpu.memory_space<vmem_shared>> -> memref<640x128xf32, #tpu.memory_space<vmem_shared>>
      %dma_wait3A_13 = arith.constant 0 : i32
      %dma_wait3A_14 = tpu.memref_slice %arg5[%mul3A_2, %dma_wait3A_13] : memref<10240x128xf32, #tpu.memory_space<hbm>> -> memref<640x128xf32, #tpu.memory_space<hbm>>
      tpu.wait_dma2 semaphore(%run_scoped3A : memref<!tpu.dma_semaphore, #tpu.memory_space<semaphore_mem>>) src(%dma_wait3A_14 : memref<640x128xf32, #tpu.memory_space<hbm>>) dst(%dma_wait3A_12 : memref<640x128xf32, #tpu.memory_space<vmem_shared>>)
      tpu.yield
    }) : () -> ()
    %barrier3A = arith.constant 0 : index
    tpu.barrier barrier_id(%barrier3A)
    %scan3A = arith.constant 0 : i32
    %scan3A_3 = arith.constant 0 : i32
    %scan3A_4 = arith.constant 2 : i32
    %scan3A_5 = arith.addi %scan3A_3, %scan3A_4 : i32
    %scan3A_6 = arith.constant 1 : i32
    scf.for %scan3A_9 = %scan3A_3 to %scan3A_5 step %scan3A_6  : i32 {
      %mul3A_10 = arith.constant 108 : i32
      %mul3A_11 = arith.muli %add3A, %mul3A_10 : i32
      %mul3A_12 = arith.constant 54 : i32
      %mul3A_13 = arith.muli %scan3A_9, %mul3A_12 : i32
      %add3A_14 = arith.addi %mul3A_11, %mul3A_13 : i32
      "tpu.region"() ({
        %run_scoped3A = tpu.sem_alloc : memref<!tpu.dma_semaphore, #tpu.memory_space<semaphore_mem>>
        %dma_start3A_55 = arith.constant 0 : i32
        %dma_start3A_56 = tpu.memref_slice %arg3[%add3A_14, %dma_start3A_55] : memref<3456x96xi32, #tpu.memory_space<hbm>> -> memref<54x96xi32, #tpu.memory_space<hbm>>
        %dma_start3A_57 = arith.constant 0 : i32
        %dma_start3A_58 = tpu.memref_slice %arg3[%add3A_14, %dma_start3A_57] : memref<3456x96xi32, #tpu.memory_space<hbm>> -> memref<54x96xi32, #tpu.memory_space<hbm>>
        tpu.enqueue_dma source(%dma_start3A_58 : memref<54x96xi32, #tpu.memory_space<hbm>>) target(%arg7 : memref<54x96xi32, #tpu.memory_space<vmem>>) target_semaphore(%run_scoped3A : memref<!tpu.dma_semaphore, #tpu.memory_space<semaphore_mem>>)
        %dma_wait3A_59 = arith.constant 0 : i32
        %dma_wait3A_60 = tpu.memref_slice %arg3[%add3A_14, %dma_wait3A_59] : memref<3456x96xi32, #tpu.memory_space<hbm>> -> memref<54x96xi32, #tpu.memory_space<hbm>>
        %dma_wait3A_61 = arith.constant 0 : i32
        %dma_wait3A_62 = tpu.memref_slice %arg3[%add3A_14, %dma_wait3A_61] : memref<3456x96xi32, #tpu.memory_space<hbm>> -> memref<54x96xi32, #tpu.memory_space<hbm>>
        tpu.wait_dma2 semaphore(%run_scoped3A : memref<!tpu.dma_semaphore, #tpu.memory_space<semaphore_mem>>) src(%dma_wait3A_62 : memref<54x96xi32, #tpu.memory_space<hbm>>) dst(%arg7 : memref<54x96xi32, #tpu.memory_space<vmem>>)
        tpu.yield
      }) : () -> ()
      "tpu.region"() ({
        %run_scoped3A = tpu.sem_alloc : memref<!tpu.dma_semaphore, #tpu.memory_space<semaphore_mem>>
        %dma_start3A_55 = arith.constant 0 : i32
        %dma_start3A_56 = tpu.memref_slice %arg4[%add3A_14, %dma_start3A_55] : memref<3456x96xi32, #tpu.memory_space<hbm>> -> memref<54x96xi32, #tpu.memory_space<hbm>>
        %dma_start3A_57 = arith.constant 0 : i32
        %dma_start3A_58 = tpu.memref_slice %arg4[%add3A_14, %dma_start3A_57] : memref<3456x96xi32, #tpu.memory_space<hbm>> -> memref<54x96xi32, #tpu.memory_space<hbm>>
        tpu.enqueue_dma source(%dma_start3A_58 : memref<54x96xi32, #tpu.memory_space<hbm>>) target(%arg8 : memref<54x96xi32, #tpu.memory_space<vmem>>) target_semaphore(%run_scoped3A : memref<!tpu.dma_semaphore, #tpu.memory_space<semaphore_mem>>)
        %dma_wait3A_59 = arith.constant 0 : i32
        %dma_wait3A_60 = tpu.memref_slice %arg4[%add3A_14, %dma_wait3A_59] : memref<3456x96xi32, #tpu.memory_space<hbm>> -> memref<54x96xi32, #tpu.memory_space<hbm>>
        %dma_wait3A_61 = arith.constant 0 : i32
        %dma_wait3A_62 = tpu.memref_slice %arg4[%add3A_14, %dma_wait3A_61] : memref<3456x96xi32, #tpu.memory_space<hbm>> -> memref<54x96xi32, #tpu.memory_space<hbm>>
        tpu.wait_dma2 semaphore(%run_scoped3A : memref<!tpu.dma_semaphore, #tpu.memory_space<semaphore_mem>>) src(%dma_wait3A_62 : memref<54x96xi32, #tpu.memory_space<hbm>>) dst(%arg8 : memref<54x96xi32, #tpu.memory_space<vmem>>)
        tpu.yield
      }) : () -> ()
      %dma_start3A = arith.constant 0 : i32
      %dma_start3A_15 = arith.constant 0 : i32
      %dma_start3A_16 = arith.constant 0 : i32
      %dma_start3A_17 = arith.constant 0 : i32
      %dma_start3A_18 = tpu.memref_slice %arg9[%dma_start3A_15, %dma_start3A_16, %dma_start3A_17] : memref<3x96x128xf32, #tpu.memory_space<vmem>> -> memref<1x96x128xf32, #tpu.memory_space<vmem>>
      %dma_start3A_19 = tpu.memref_squeeze %dma_start3A_18 : memref<1x96x128xf32, #tpu.memory_space<vmem>> -> memref<96x128xf32, #tpu.memory_space<vmem>>
      %dma_start3A_20 = arith.constant 0 : i32
      %dma_start3A_21 = tpu.memref_slice %arg7[%dma_start3A, %dma_start3A_20] : memref<54x96xi32, #tpu.memory_space<vmem>> -> memref<1x96xi32, #tpu.memory_space<vmem>>
      %dma_start3A_22 = tpu.memref_squeeze %dma_start3A_21 : memref<1x96xi32, #tpu.memory_space<vmem>> -> memref<96xi32, #tpu.memory_space<vmem>>
      %dma_start3A_23 = arith.constant 0 : i32
      %dma_start3A_24 = arith.constant 0 : i32
      %dma_start3A_25 = tpu.memref_slice %arg2[%dma_start3A_23, %dma_start3A_24] : memref<10000x128xf32, #tpu.memory_space<hbm>> -> memref<10000x128xf32, #tpu.memory_space<hbm>>
      tpu.enqueue_indirect_dma source(%dma_start3A_25 : memref<10000x128xf32, #tpu.memory_space<hbm>>) target(%dma_start3A_19 : memref<96x128xf32, #tpu.memory_space<vmem>>) offsets(%dma_start3A_22 : memref<96xi32, #tpu.memory_space<vmem>>) semaphore(%arg11 : memref<!tpu.dma_semaphore, #tpu.memory_space<semaphore_mem>>)
      %dma_start3A_26 = arith.constant 1 : i32
      %dma_start3A_27 = arith.constant 1 : i32
      %dma_start3A_28 = arith.constant 0 : i32
      %dma_start3A_29 = arith.constant 0 : i32
      %dma_start3A_30 = tpu.memref_slice %arg9[%dma_start3A_27, %dma_start3A_28, %dma_start3A_29] : memref<3x96x128xf32, #tpu.memory_space<vmem>> -> memref<1x96x128xf32, #tpu.memory_space<vmem>>
      %dma_start3A_31 = tpu.memref_squeeze %dma_start3A_30 : memref<1x96x128xf32, #tpu.memory_space<vmem>> -> memref<96x128xf32, #tpu.memory_space<vmem>>
      %dma_start3A_32 = arith.constant 0 : i32
      %dma_start3A_33 = tpu.memref_slice %arg7[%dma_start3A_26, %dma_start3A_32] : memref<54x96xi32, #tpu.memory_space<vmem>> -> memref<1x96xi32, #tpu.memory_space<vmem>>
      %dma_start3A_34 = tpu.memref_squeeze %dma_start3A_33 : memref<1x96xi32, #tpu.memory_space<vmem>> -> memref<96xi32, #tpu.memory_space<vmem>>
      %dma_start3A_35 = arith.constant 0 : i32
      %dma_start3A_36 = arith.constant 0 : i32
      %dma_start3A_37 = tpu.memref_slice %arg2[%dma_start3A_35, %dma_start3A_36] : memref<10000x128xf32, #tpu.memory_space<hbm>> -> memref<10000x128xf32, #tpu.memory_space<hbm>>
      tpu.enqueue_indirect_dma source(%dma_start3A_37 : memref<10000x128xf32, #tpu.memory_space<hbm>>) target(%dma_start3A_31 : memref<96x128xf32, #tpu.memory_space<vmem>>) offsets(%dma_start3A_34 : memref<96xi32, #tpu.memory_space<vmem>>) semaphore(%arg11 : memref<!tpu.dma_semaphore, #tpu.memory_space<semaphore_mem>>)
      %scan3A_38 = arith.constant 0 : i32
      %scan3A_39 = arith.constant 0 : i32
      %scan3A_40 = arith.constant 18 : i32
      %scan3A_41 = arith.addi %scan3A_39, %scan3A_40 : i32
      %scan3A_42 = arith.constant 1 : i32
      scf.for %scan3A_55 = %scan3A_39 to %scan3A_41 step %scan3A_42  : i32 {
        %mul3A_56 = arith.constant 3 : i32
        %mul3A_57 = arith.muli %scan3A_55, %mul3A_56 : i32
        %add3A_58 = arith.constant 0 : i32
        %add3A_59 = arith.addi %mul3A_57, %add3A_58 : i32
        %jit3A = arith.constant 3 : i32
        %eq3A = arith.constant 0 : i32
        %eq3A_60 = arith.cmpi eq, %jit3A, %eq3A : i32
        %jit3A_61 = arith.constant 1 : i32
        %select_n3A = arith.select %eq3A_60, %jit3A_61, %jit3A : i32
        %rem3A = arith.remsi %add3A_59, %select_n3A : i32
        %ne3A = arith.constant 0 : i32
        %ne3A_62 = arith.cmpi ne, %rem3A, %ne3A : i32
        %lt3A = arith.constant 0 : i32
        %lt3A_63 = arith.cmpi slt, %rem3A, %lt3A : i32
        %lt3A_64 = arith.constant 0 : i32
        %lt3A_65 = arith.cmpi slt, %select_n3A, %lt3A_64 : i32
        %ne3A_66 = arith.xori %lt3A_63, %lt3A_65 : i1
        %and3A = arith.andi %ne3A_66, %ne3A_62 : i1
        %add3A_67 = arith.addi %rem3A, %select_n3A : i32
        %select_n3A_68 = arith.select %and3A, %add3A_67, %rem3A : i32
        %dma_wait3A_69 = arith.constant 0 : i32
        %dma_wait3A_70 = arith.constant 0 : i32
        %dma_wait3A_71 = tpu.memref_slice %arg9[%select_n3A_68, %dma_wait3A_69, %dma_wait3A_70] : memref<3x96x128xf32, #tpu.memory_space<vmem>> -> memref<1x96x128xf32, #tpu.memory_space<vmem>>
        %dma_wait3A_72 = tpu.memref_squeeze %dma_wait3A_71 : memref<1x96x128xf32, #tpu.memory_space<vmem>> -> memref<96x128xf32, #tpu.memory_space<vmem>>
        %dma_wait3A_73 = arith.constant 0 : i32
        %dma_wait3A_74 = tpu.memref_slice %arg7[%add3A_59, %dma_wait3A_73] : memref<54x96xi32, #tpu.memory_space<vmem>> -> memref<1x96xi32, #tpu.memory_space<vmem>>
        %dma_wait3A_75 = tpu.memref_squeeze %dma_wait3A_74 : memref<1x96xi32, #tpu.memory_space<vmem>> -> memref<96xi32, #tpu.memory_space<vmem>>
        %dma_wait3A_76 = arith.constant 0 : i32
        %dma_wait3A_77 = arith.constant 0 : i32
        %dma_wait3A_78 = tpu.memref_slice %arg2[%dma_wait3A_76, %dma_wait3A_77] : memref<10000x128xf32, #tpu.memory_space<hbm>> -> memref<10000x128xf32, #tpu.memory_space<hbm>>
        tpu.wait_indirect_dma semaphore(%arg11 : memref<!tpu.dma_semaphore, #tpu.memory_space<semaphore_mem>>) src(%dma_wait3A_78 : memref<10000x128xf32, #tpu.memory_space<hbm>>) dst(%dma_wait3A_72 : memref<96x128xf32, #tpu.memory_space<vmem>>)
        %dma_start3A_79 = arith.constant 0 : i32
        %dma_start3A_80 = arith.constant 0 : i32
        %dma_start3A_81 = tpu.memref_slice %arg9[%select_n3A_68, %dma_start3A_79, %dma_start3A_80] : memref<3x96x128xf32, #tpu.memory_space<vmem>> -> memref<1x96x128xf32, #tpu.memory_space<vmem>>
        %dma_start3A_82 = tpu.memref_squeeze %dma_start3A_81 : memref<1x96x128xf32, #tpu.memory_space<vmem>> -> memref<96x128xf32, #tpu.memory_space<vmem>>
        %dma_start3A_83 = arith.constant 0 : i32
        %dma_start3A_84 = tpu.memref_slice %arg8[%add3A_59, %dma_start3A_83] : memref<54x96xi32, #tpu.memory_space<vmem>> -> memref<1x96xi32, #tpu.memory_space<vmem>>
        %dma_start3A_85 = tpu.memref_squeeze %dma_start3A_84 : memref<1x96xi32, #tpu.memory_space<vmem>> -> memref<96xi32, #tpu.memory_space<vmem>>
        %dma_start3A_86 = arith.constant 0 : i32
        %dma_start3A_87 = arith.constant 0 : i32
        %dma_start3A_88 = tpu.memref_slice %arg10[%dma_start3A_86, %dma_start3A_87] : memref<10240x128xf32, #tpu.memory_space<vmem_shared>> -> memref<10240x128xf32, #tpu.memory_space<vmem_shared>>
        tpu.enqueue_indirect_dma source(%dma_start3A_82 : memref<96x128xf32, #tpu.memory_space<vmem>>) target(%dma_start3A_88 : memref<10240x128xf32, #tpu.memory_space<vmem_shared>>) offsets(%dma_start3A_85 : memref<96xi32, #tpu.memory_space<vmem>>) semaphore(%arg12 : memref<!tpu.dma_semaphore, #tpu.memory_space<semaphore_mem>>) {add = true}
        %ge3A = arith.constant 1 : i32
        %ge3A_89 = arith.cmpi sge, %add3A_59, %ge3A : i32
        %convert_element_type3A = arith.extui %ge3A_89 : i1 to i32
        %cond3A = arith.constant 0 : i32
        %cond3A_90 = arith.cmpi ne, %convert_element_type3A, %cond3A : i32
        scf.if %cond3A_90 {
          %dma_wait3A_202 = arith.constant 0 : i32
          %dma_wait3A_203 = arith.constant 0 : i32
          %dma_wait3A_204 = tpu.memref_slice %arg9[%select_n3A_68, %dma_wait3A_202, %dma_wait3A_203] : memref<3x96x128xf32, #tpu.memory_space<vmem>> -> memref<1x96x128xf32, #tpu.memory_space<vmem>>
          %dma_wait3A_205 = tpu.memref_squeeze %dma_wait3A_204 : memref<1x96x128xf32, #tpu.memory_space<vmem>> -> memref<96x128xf32, #tpu.memory_space<vmem>>
          %dma_wait3A_206 = arith.constant 0 : i32
          %dma_wait3A_207 = tpu.memref_slice %arg8[%add3A_59, %dma_wait3A_206] : memref<54x96xi32, #tpu.memory_space<vmem>> -> memref<1x96xi32, #tpu.memory_space<vmem>>
          %dma_wait3A_208 = tpu.memref_squeeze %dma_wait3A_207 : memref<1x96xi32, #tpu.memory_space<vmem>> -> memref<96xi32, #tpu.memory_space<vmem>>
          %dma_wait3A_209 = arith.constant 0 : i32
          %dma_wait3A_210 = arith.constant 0 : i32
          %dma_wait3A_211 = tpu.memref_slice %arg10[%dma_wait3A_209, %dma_wait3A_210] : memref<10240x128xf32, #tpu.memory_space<vmem_shared>> -> memref<10240x128xf32, #tpu.memory_space<vmem_shared>>
          tpu.wait_indirect_dma semaphore(%arg12 : memref<!tpu.dma_semaphore, #tpu.memory_space<semaphore_mem>>) src(%dma_wait3A_205 : memref<96x128xf32, #tpu.memory_space<vmem>>) dst(%dma_wait3A_211 : memref<10240x128xf32, #tpu.memory_space<vmem_shared>>)
        } else {
        }
        %add3A_91 = arith.constant 2 : i32
        %add3A_92 = arith.addi %add3A_59, %add3A_91 : i32
        %lt3A_93 = arith.constant 54 : i32
        %lt3A_94 = arith.cmpi slt, %add3A_92, %lt3A_93 : i32
        %convert_element_type3A_95 = arith.extui %lt3A_94 : i1 to i32
        %cond3A_96 = arith.constant 0 : i32
        %cond3A_97 = arith.cmpi ne, %convert_element_type3A_95, %cond3A_96 : i32
        scf.if %cond3A_97 {
          %add3A_202 = arith.constant 2 : i32
          %add3A_203 = arith.addi %add3A_59, %add3A_202 : i32
          %add3A_204 = arith.constant 2 : i32
          %add3A_205 = arith.addi %add3A_59, %add3A_204 : i32
          %jit3A_206 = arith.constant 3 : i32
          %eq3A_207 = arith.constant 0 : i32
          %eq3A_208 = arith.cmpi eq, %jit3A_206, %eq3A_207 : i32
          %jit3A_209 = arith.constant 1 : i32
          %select_n3A_210 = arith.select %eq3A_208, %jit3A_209, %jit3A_206 : i32
          %rem3A_211 = arith.remsi %add3A_205, %select_n3A_210 : i32
          %ne3A_212 = arith.constant 0 : i32
          %ne3A_213 = arith.cmpi ne, %rem3A_211, %ne3A_212 : i32
          %lt3A_214 = arith.constant 0 : i32
          %lt3A_215 = arith.cmpi slt, %rem3A_211, %lt3A_214 : i32
          %lt3A_216 = arith.constant 0 : i32
          %lt3A_217 = arith.cmpi slt, %select_n3A_210, %lt3A_216 : i32
          %ne3A_218 = arith.xori %lt3A_215, %lt3A_217 : i1
          %and3A_219 = arith.andi %ne3A_218, %ne3A_213 : i1
          %add3A_220 = arith.addi %rem3A_211, %select_n3A_210 : i32
          %select_n3A_221 = arith.select %and3A_219, %add3A_220, %rem3A_211 : i32
          %dma_start3A_222 = arith.constant 0 : i32
          %dma_start3A_223 = arith.constant 0 : i32
          %dma_start3A_224 = tpu.memref_slice %arg9[%select_n3A_221, %dma_start3A_222, %dma_start3A_223] : memref<3x96x128xf32, #tpu.memory_space<vmem>> -> memref<1x96x128xf32, #tpu.memory_space<vmem>>
          %dma_start3A_225 = tpu.memref_squeeze %dma_start3A_224 : memref<1x96x128xf32, #tpu.memory_space<vmem>> -> memref<96x128xf32, #tpu.memory_space<vmem>>
          %dma_start3A_226 = arith.constant 0 : i32
          %dma_start3A_227 = tpu.memref_slice %arg7[%add3A_203, %dma_start3A_226] : memref<54x96xi32, #tpu.memory_space<vmem>> -> memref<1x96xi32, #tpu.memory_space<vmem>>
          %dma_start3A_228 = tpu.memref_squeeze %dma_start3A_227 : memref<1x96xi32, #tpu.memory_space<vmem>> -> memref<96xi32, #tpu.memory_space<vmem>>
          %dma_start3A_229 = arith.constant 0 : i32
          %dma_start3A_230 = arith.constant 0 : i32
          %dma_start3A_231 = tpu.memref_slice %arg2[%dma_start3A_229, %dma_start3A_230] : memref<10000x128xf32, #tpu.memory_space<hbm>> -> memref<10000x128xf32, #tpu.memory_space<hbm>>
          tpu.enqueue_indirect_dma source(%dma_start3A_231 : memref<10000x128xf32, #tpu.memory_space<hbm>>) target(%dma_start3A_225 : memref<96x128xf32, #tpu.memory_space<vmem>>) offsets(%dma_start3A_228 : memref<96xi32, #tpu.memory_space<vmem>>) semaphore(%arg11 : memref<!tpu.dma_semaphore, #tpu.memory_space<semaphore_mem>>)
        } else {
        }
        %mul3A_98 = arith.constant 3 : i32
        %mul3A_99 = arith.muli %scan3A_55, %mul3A_98 : i32
        %add3A_100 = arith.constant 1 : i32
        %add3A_101 = arith.addi %mul3A_99, %add3A_100 : i32
        %jit3A_102 = arith.constant 3 : i32
        %eq3A_103 = arith.constant 0 : i32
        %eq3A_104 = arith.cmpi eq, %jit3A_102, %eq3A_103 : i32
        %jit3A_105 = arith.constant 1 : i32
        %select_n3A_106 = arith.select %eq3A_104, %jit3A_105, %jit3A_102 : i32
        %rem3A_107 = arith.remsi %add3A_101, %select_n3A_106 : i32
        %ne3A_108 = arith.constant 0 : i32
        %ne3A_109 = arith.cmpi ne, %rem3A_107, %ne3A_108 : i32
        %lt3A_110 = arith.constant 0 : i32
        %lt3A_111 = arith.cmpi slt, %rem3A_107, %lt3A_110 : i32
        %lt3A_112 = arith.constant 0 : i32
        %lt3A_113 = arith.cmpi slt, %select_n3A_106, %lt3A_112 : i32
        %ne3A_114 = arith.xori %lt3A_111, %lt3A_113 : i1
        %and3A_115 = arith.andi %ne3A_114, %ne3A_109 : i1
        %add3A_116 = arith.addi %rem3A_107, %select_n3A_106 : i32
        %select_n3A_117 = arith.select %and3A_115, %add3A_116, %rem3A_107 : i32
        %dma_wait3A_118 = arith.constant 0 : i32
        %dma_wait3A_119 = arith.constant 0 : i32
        %dma_wait3A_120 = tpu.memref_slice %arg9[%select_n3A_117, %dma_wait3A_118, %dma_wait3A_119] : memref<3x96x128xf32, #tpu.memory_space<vmem>> -> memref<1x96x128xf32, #tpu.memory_space<vmem>>
        %dma_wait3A_121 = tpu.memref_squeeze %dma_wait3A_120 : memref<1x96x128xf32, #tpu.memory_space<vmem>> -> memref<96x128xf32, #tpu.memory_space<vmem>>
        %dma_wait3A_122 = arith.constant 0 : i32
        %dma_wait3A_123 = tpu.memref_slice %arg7[%add3A_101, %dma_wait3A_122] : memref<54x96xi32, #tpu.memory_space<vmem>> -> memref<1x96xi32, #tpu.memory_space<vmem>>
        %dma_wait3A_124 = tpu.memref_squeeze %dma_wait3A_123 : memref<1x96xi32, #tpu.memory_space<vmem>> -> memref<96xi32, #tpu.memory_space<vmem>>
        %dma_wait3A_125 = arith.constant 0 : i32
        %dma_wait3A_126 = arith.constant 0 : i32
        %dma_wait3A_127 = tpu.memref_slice %arg2[%dma_wait3A_125, %dma_wait3A_126] : memref<10000x128xf32, #tpu.memory_space<hbm>> -> memref<10000x128xf32, #tpu.memory_space<hbm>>
        tpu.wait_indirect_dma semaphore(%arg11 : memref<!tpu.dma_semaphore, #tpu.memory_space<semaphore_mem>>) src(%dma_wait3A_127 : memref<10000x128xf32, #tpu.memory_space<hbm>>) dst(%dma_wait3A_121 : memref<96x128xf32, #tpu.memory_space<vmem>>)
        %dma_start3A_128 = arith.constant 0 : i32
        %dma_start3A_129 = arith.constant 0 : i32
        %dma_start3A_130 = tpu.memref_slice %arg9[%select_n3A_117, %dma_start3A_128, %dma_start3A_129] : memref<3x96x128xf32, #tpu.memory_space<vmem>> -> memref<1x96x128xf32, #tpu.memory_space<vmem>>
        %dma_start3A_131 = tpu.memref_squeeze %dma_start3A_130 : memref<1x96x128xf32, #tpu.memory_space<vmem>> -> memref<96x128xf32, #tpu.memory_space<vmem>>
        %dma_start3A_132 = arith.constant 0 : i32
        %dma_start3A_133 = tpu.memref_slice %arg8[%add3A_101, %dma_start3A_132] : memref<54x96xi32, #tpu.memory_space<vmem>> -> memref<1x96xi32, #tpu.memory_space<vmem>>
        %dma_start3A_134 = tpu.memref_squeeze %dma_start3A_133 : memref<1x96xi32, #tpu.memory_space<vmem>> -> memref<96xi32, #tpu.memory_space<vmem>>
        %dma_start3A_135 = arith.constant 0 : i32
        %dma_start3A_136 = arith.constant 0 : i32
        %dma_start3A_137 = tpu.memref_slice %arg10[%dma_start3A_135, %dma_start3A_136] : memref<10240x128xf32, #tpu.memory_space<vmem_shared>> -> memref<10240x128xf32, #tpu.memory_space<vmem_shared>>
        tpu.enqueue_indirect_dma source(%dma_start3A_131 : memref<96x128xf32, #tpu.memory_space<vmem>>) target(%dma_start3A_137 : memref<10240x128xf32, #tpu.memory_space<vmem_shared>>) offsets(%dma_start3A_134 : memref<96xi32, #tpu.memory_space<vmem>>) semaphore(%arg12 : memref<!tpu.dma_semaphore, #tpu.memory_space<semaphore_mem>>) {add = true}
        %ge3A_138 = arith.constant 1 : i32
        %ge3A_139 = arith.cmpi sge, %add3A_101, %ge3A_138 : i32
        %convert_element_type3A_140 = arith.extui %ge3A_139 : i1 to i32
        %cond3A_141 = arith.constant 0 : i32
        %cond3A_142 = arith.cmpi ne, %convert_element_type3A_140, %cond3A_141 : i32
        scf.if %cond3A_142 {
          %dma_wait3A_202 = arith.constant 0 : i32
          %dma_wait3A_203 = arith.constant 0 : i32
          %dma_wait3A_204 = tpu.memref_slice %arg9[%select_n3A_117, %dma_wait3A_202, %dma_wait3A_203] : memref<3x96x128xf32, #tpu.memory_space<vmem>> -> memref<1x96x128xf32, #tpu.memory_space<vmem>>
          %dma_wait3A_205 = tpu.memref_squeeze %dma_wait3A_204 : memref<1x96x128xf32, #tpu.memory_space<vmem>> -> memref<96x128xf32, #tpu.memory_space<vmem>>
          %dma_wait3A_206 = arith.constant 0 : i32
          %dma_wait3A_207 = tpu.memref_slice %arg8[%add3A_101, %dma_wait3A_206] : memref<54x96xi32, #tpu.memory_space<vmem>> -> memref<1x96xi32, #tpu.memory_space<vmem>>
          %dma_wait3A_208 = tpu.memref_squeeze %dma_wait3A_207 : memref<1x96xi32, #tpu.memory_space<vmem>> -> memref<96xi32, #tpu.memory_space<vmem>>
          %dma_wait3A_209 = arith.constant 0 : i32
          %dma_wait3A_210 = arith.constant 0 : i32
          %dma_wait3A_211 = tpu.memref_slice %arg10[%dma_wait3A_209, %dma_wait3A_210] : memref<10240x128xf32, #tpu.memory_space<vmem_shared>> -> memref<10240x128xf32, #tpu.memory_space<vmem_shared>>
          tpu.wait_indirect_dma semaphore(%arg12 : memref<!tpu.dma_semaphore, #tpu.memory_space<semaphore_mem>>) src(%dma_wait3A_205 : memref<96x128xf32, #tpu.memory_space<vmem>>) dst(%dma_wait3A_211 : memref<10240x128xf32, #tpu.memory_space<vmem_shared>>)
        } else {
        }
        %add3A_143 = arith.constant 2 : i32
        %add3A_144 = arith.addi %add3A_101, %add3A_143 : i32
        %lt3A_145 = arith.constant 54 : i32
        %lt3A_146 = arith.cmpi slt, %add3A_144, %lt3A_145 : i32
        %convert_element_type3A_147 = arith.extui %lt3A_146 : i1 to i32
        %cond3A_148 = arith.constant 0 : i32
        %cond3A_149 = arith.cmpi ne, %convert_element_type3A_147, %cond3A_148 : i32
        scf.if %cond3A_149 {
          %add3A_202 = arith.constant 2 : i32
          %add3A_203 = arith.addi %add3A_101, %add3A_202 : i32
          %add3A_204 = arith.constant 2 : i32
          %add3A_205 = arith.addi %add3A_101, %add3A_204 : i32
          %jit3A_206 = arith.constant 3 : i32
          %eq3A_207 = arith.constant 0 : i32
          %eq3A_208 = arith.cmpi eq, %jit3A_206, %eq3A_207 : i32
          %jit3A_209 = arith.constant 1 : i32
          %select_n3A_210 = arith.select %eq3A_208, %jit3A_209, %jit3A_206 : i32
          %rem3A_211 = arith.remsi %add3A_205, %select_n3A_210 : i32
          %ne3A_212 = arith.constant 0 : i32
          %ne3A_213 = arith.cmpi ne, %rem3A_211, %ne3A_212 : i32
          %lt3A_214 = arith.constant 0 : i32
          %lt3A_215 = arith.cmpi slt, %rem3A_211, %lt3A_214 : i32
          %lt3A_216 = arith.constant 0 : i32
          %lt3A_217 = arith.cmpi slt, %select_n3A_210, %lt3A_216 : i32
          %ne3A_218 = arith.xori %lt3A_215, %lt3A_217 : i1
          %and3A_219 = arith.andi %ne3A_218, %ne3A_213 : i1
          %add3A_220 = arith.addi %rem3A_211, %select_n3A_210 : i32
          %select_n3A_221 = arith.select %and3A_219, %add3A_220, %rem3A_211 : i32
          %dma_start3A_222 = arith.constant 0 : i32
          %dma_start3A_223 = arith.constant 0 : i32
          %dma_start3A_224 = tpu.memref_slice %arg9[%select_n3A_221, %dma_start3A_222, %dma_start3A_223] : memref<3x96x128xf32, #tpu.memory_space<vmem>> -> memref<1x96x128xf32, #tpu.memory_space<vmem>>
          %dma_start3A_225 = tpu.memref_squeeze %dma_start3A_224 : memref<1x96x128xf32, #tpu.memory_space<vmem>> -> memref<96x128xf32, #tpu.memory_space<vmem>>
          %dma_start3A_226 = arith.constant 0 : i32
          %dma_start3A_227 = tpu.memref_slice %arg7[%add3A_203, %dma_start3A_226] : memref<54x96xi32, #tpu.memory_space<vmem>> -> memref<1x96xi32, #tpu.memory_space<vmem>>
          %dma_start3A_228 = tpu.memref_squeeze %dma_start3A_227 : memref<1x96xi32, #tpu.memory_space<vmem>> -> memref<96xi32, #tpu.memory_space<vmem>>
          %dma_start3A_229 = arith.constant 0 : i32
          %dma_start3A_230 = arith.constant 0 : i32
          %dma_start3A_231 = tpu.memref_slice %arg2[%dma_start3A_229, %dma_start3A_230] : memref<10000x128xf32, #tpu.memory_space<hbm>> -> memref<10000x128xf32, #tpu.memory_space<hbm>>
          tpu.enqueue_indirect_dma source(%dma_start3A_231 : memref<10000x128xf32, #tpu.memory_space<hbm>>) target(%dma_start3A_225 : memref<96x128xf32, #tpu.memory_space<vmem>>) offsets(%dma_start3A_228 : memref<96xi32, #tpu.memory_space<vmem>>) semaphore(%arg11 : memref<!tpu.dma_semaphore, #tpu.memory_space<semaphore_mem>>)
        } else {
        }
        %mul3A_150 = arith.constant 3 : i32
        %mul3A_151 = arith.muli %scan3A_55, %mul3A_150 : i32
        %add3A_152 = arith.constant 2 : i32
        %add3A_153 = arith.addi %mul3A_151, %add3A_152 : i32
        %jit3A_154 = arith.constant 3 : i32
        %eq3A_155 = arith.constant 0 : i32
        %eq3A_156 = arith.cmpi eq, %jit3A_154, %eq3A_155 : i32
        %jit3A_157 = arith.constant 1 : i32
        %select_n3A_158 = arith.select %eq3A_156, %jit3A_157, %jit3A_154 : i32
        %rem3A_159 = arith.remsi %add3A_153, %select_n3A_158 : i32
        %ne3A_160 = arith.constant 0 : i32
        %ne3A_161 = arith.cmpi ne, %rem3A_159, %ne3A_160 : i32
        %lt3A_162 = arith.constant 0 : i32
        %lt3A_163 = arith.cmpi slt, %rem3A_159, %lt3A_162 : i32
        %lt3A_164 = arith.constant 0 : i32
        %lt3A_165 = arith.cmpi slt, %select_n3A_158, %lt3A_164 : i32
        %ne3A_166 = arith.xori %lt3A_163, %lt3A_165 : i1
        %and3A_167 = arith.andi %ne3A_166, %ne3A_161 : i1
        %add3A_168 = arith.addi %rem3A_159, %select_n3A_158 : i32
        %select_n3A_169 = arith.select %and3A_167, %add3A_168, %rem3A_159 : i32
        %dma_wait3A_170 = arith.constant 0 : i32
        %dma_wait3A_171 = arith.constant 0 : i32
        %dma_wait3A_172 = tpu.memref_slice %arg9[%select_n3A_169, %dma_wait3A_170, %dma_wait3A_171] : memref<3x96x128xf32, #tpu.memory_space<vmem>> -> memref<1x96x128xf32, #tpu.memory_space<vmem>>
        %dma_wait3A_173 = tpu.memref_squeeze %dma_wait3A_172 : memref<1x96x128xf32, #tpu.memory_space<vmem>> -> memref<96x128xf32, #tpu.memory_space<vmem>>
        %dma_wait3A_174 = arith.constant 0 : i32
        %dma_wait3A_175 = tpu.memref_slice %arg7[%add3A_153, %dma_wait3A_174] : memref<54x96xi32, #tpu.memory_space<vmem>> -> memref<1x96xi32, #tpu.memory_space<vmem>>
        %dma_wait3A_176 = tpu.memref_squeeze %dma_wait3A_175 : memref<1x96xi32, #tpu.memory_space<vmem>> -> memref<96xi32, #tpu.memory_space<vmem>>
        %dma_wait3A_177 = arith.constant 0 : i32
        %dma_wait3A_178 = arith.constant 0 : i32
        %dma_wait3A_179 = tpu.memref_slice %arg2[%dma_wait3A_177, %dma_wait3A_178] : memref<10000x128xf32, #tpu.memory_space<hbm>> -> memref<10000x128xf32, #tpu.memory_space<hbm>>
        tpu.wait_indirect_dma semaphore(%arg11 : memref<!tpu.dma_semaphore, #tpu.memory_space<semaphore_mem>>) src(%dma_wait3A_179 : memref<10000x128xf32, #tpu.memory_space<hbm>>) dst(%dma_wait3A_173 : memref<96x128xf32, #tpu.memory_space<vmem>>)
        %dma_start3A_180 = arith.constant 0 : i32
        %dma_start3A_181 = arith.constant 0 : i32
        %dma_start3A_182 = tpu.memref_slice %arg9[%select_n3A_169, %dma_start3A_180, %dma_start3A_181] : memref<3x96x128xf32, #tpu.memory_space<vmem>> -> memref<1x96x128xf32, #tpu.memory_space<vmem>>
        %dma_start3A_183 = tpu.memref_squeeze %dma_start3A_182 : memref<1x96x128xf32, #tpu.memory_space<vmem>> -> memref<96x128xf32, #tpu.memory_space<vmem>>
        %dma_start3A_184 = arith.constant 0 : i32
        %dma_start3A_185 = tpu.memref_slice %arg8[%add3A_153, %dma_start3A_184] : memref<54x96xi32, #tpu.memory_space<vmem>> -> memref<1x96xi32, #tpu.memory_space<vmem>>
        %dma_start3A_186 = tpu.memref_squeeze %dma_start3A_185 : memref<1x96xi32, #tpu.memory_space<vmem>> -> memref<96xi32, #tpu.memory_space<vmem>>
        %dma_start3A_187 = arith.constant 0 : i32
        %dma_start3A_188 = arith.constant 0 : i32
        %dma_start3A_189 = tpu.memref_slice %arg10[%dma_start3A_187, %dma_start3A_188] : memref<10240x128xf32, #tpu.memory_space<vmem_shared>> -> memref<10240x128xf32, #tpu.memory_space<vmem_shared>>
        tpu.enqueue_indirect_dma source(%dma_start3A_183 : memref<96x128xf32, #tpu.memory_space<vmem>>) target(%dma_start3A_189 : memref<10240x128xf32, #tpu.memory_space<vmem_shared>>) offsets(%dma_start3A_186 : memref<96xi32, #tpu.memory_space<vmem>>) semaphore(%arg12 : memref<!tpu.dma_semaphore, #tpu.memory_space<semaphore_mem>>) {add = true}
        %ge3A_190 = arith.constant 1 : i32
        %ge3A_191 = arith.cmpi sge, %add3A_153, %ge3A_190 : i32
        %convert_element_type3A_192 = arith.extui %ge3A_191 : i1 to i32
        %cond3A_193 = arith.constant 0 : i32
        %cond3A_194 = arith.cmpi ne, %convert_element_type3A_192, %cond3A_193 : i32
        scf.if %cond3A_194 {
          %dma_wait3A_202 = arith.constant 0 : i32
          %dma_wait3A_203 = arith.constant 0 : i32
          %dma_wait3A_204 = tpu.memref_slice %arg9[%select_n3A_169, %dma_wait3A_202, %dma_wait3A_203] : memref<3x96x128xf32, #tpu.memory_space<vmem>> -> memref<1x96x128xf32, #tpu.memory_space<vmem>>
          %dma_wait3A_205 = tpu.memref_squeeze %dma_wait3A_204 : memref<1x96x128xf32, #tpu.memory_space<vmem>> -> memref<96x128xf32, #tpu.memory_space<vmem>>
          %dma_wait3A_206 = arith.constant 0 : i32
          %dma_wait3A_207 = tpu.memref_slice %arg8[%add3A_153, %dma_wait3A_206] : memref<54x96xi32, #tpu.memory_space<vmem>> -> memref<1x96xi32, #tpu.memory_space<vmem>>
          %dma_wait3A_208 = tpu.memref_squeeze %dma_wait3A_207 : memref<1x96xi32, #tpu.memory_space<vmem>> -> memref<96xi32, #tpu.memory_space<vmem>>
          %dma_wait3A_209 = arith.constant 0 : i32
          %dma_wait3A_210 = arith.constant 0 : i32
          %dma_wait3A_211 = tpu.memref_slice %arg10[%dma_wait3A_209, %dma_wait3A_210] : memref<10240x128xf32, #tpu.memory_space<vmem_shared>> -> memref<10240x128xf32, #tpu.memory_space<vmem_shared>>
          tpu.wait_indirect_dma semaphore(%arg12 : memref<!tpu.dma_semaphore, #tpu.memory_space<semaphore_mem>>) src(%dma_wait3A_205 : memref<96x128xf32, #tpu.memory_space<vmem>>) dst(%dma_wait3A_211 : memref<10240x128xf32, #tpu.memory_space<vmem_shared>>)
        } else {
        }
        %add3A_195 = arith.constant 2 : i32
        %add3A_196 = arith.addi %add3A_153, %add3A_195 : i32
        %lt3A_197 = arith.constant 54 : i32
        %lt3A_198 = arith.cmpi slt, %add3A_196, %lt3A_197 : i32
        %convert_element_type3A_199 = arith.extui %lt3A_198 : i1 to i32
        %cond3A_200 = arith.constant 0 : i32
        %cond3A_201 = arith.cmpi ne, %convert_element_type3A_199, %cond3A_200 : i32
        scf.if %cond3A_201 {
          %add3A_202 = arith.constant 2 : i32
          %add3A_203 = arith.addi %add3A_153, %add3A_202 : i32
          %add3A_204 = arith.constant 2 : i32
          %add3A_205 = arith.addi %add3A_153, %add3A_204 : i32
          %jit3A_206 = arith.constant 3 : i32
          %eq3A_207 = arith.constant 0 : i32
          %eq3A_208 = arith.cmpi eq, %jit3A_206, %eq3A_207 : i32
          %jit3A_209 = arith.constant 1 : i32
          %select_n3A_210 = arith.select %eq3A_208, %jit3A_209, %jit3A_206 : i32
          %rem3A_211 = arith.remsi %add3A_205, %select_n3A_210 : i32
          %ne3A_212 = arith.constant 0 : i32
          %ne3A_213 = arith.cmpi ne, %rem3A_211, %ne3A_212 : i32
          %lt3A_214 = arith.constant 0 : i32
          %lt3A_215 = arith.cmpi slt, %rem3A_211, %lt3A_214 : i32
          %lt3A_216 = arith.constant 0 : i32
          %lt3A_217 = arith.cmpi slt, %select_n3A_210, %lt3A_216 : i32
          %ne3A_218 = arith.xori %lt3A_215, %lt3A_217 : i1
          %and3A_219 = arith.andi %ne3A_218, %ne3A_213 : i1
          %add3A_220 = arith.addi %rem3A_211, %select_n3A_210 : i32
          %select_n3A_221 = arith.select %and3A_219, %add3A_220, %rem3A_211 : i32
          %dma_start3A_222 = arith.constant 0 : i32
          %dma_start3A_223 = arith.constant 0 : i32
          %dma_start3A_224 = tpu.memref_slice %arg9[%select_n3A_221, %dma_start3A_222, %dma_start3A_223] : memref<3x96x128xf32, #tpu.memory_space<vmem>> -> memref<1x96x128xf32, #tpu.memory_space<vmem>>
          %dma_start3A_225 = tpu.memref_squeeze %dma_start3A_224 : memref<1x96x128xf32, #tpu.memory_space<vmem>> -> memref<96x128xf32, #tpu.memory_space<vmem>>
          %dma_start3A_226 = arith.constant 0 : i32
          %dma_start3A_227 = tpu.memref_slice %arg7[%add3A_203, %dma_start3A_226] : memref<54x96xi32, #tpu.memory_space<vmem>> -> memref<1x96xi32, #tpu.memory_space<vmem>>
          %dma_start3A_228 = tpu.memref_squeeze %dma_start3A_227 : memref<1x96xi32, #tpu.memory_space<vmem>> -> memref<96xi32, #tpu.memory_space<vmem>>
          %dma_start3A_229 = arith.constant 0 : i32
          %dma_start3A_230 = arith.constant 0 : i32
          %dma_start3A_231 = tpu.memref_slice %arg2[%dma_start3A_229, %dma_start3A_230] : memref<10000x128xf32, #tpu.memory_space<hbm>> -> memref<10000x128xf32, #tpu.memory_space<hbm>>
          tpu.enqueue_indirect_dma source(%dma_start3A_231 : memref<10000x128xf32, #tpu.memory_space<hbm>>) target(%dma_start3A_225 : memref<96x128xf32, #tpu.memory_space<vmem>>) offsets(%dma_start3A_228 : memref<96xi32, #tpu.memory_space<vmem>>) semaphore(%arg11 : memref<!tpu.dma_semaphore, #tpu.memory_space<semaphore_mem>>)
        } else {
        }
      }
      %scan3A_43 = arith.constant 18 : i32
      %dma_wait3A = arith.constant 0 : i32
      %dma_wait3A_44 = arith.constant 0 : i32
      %dma_wait3A_45 = arith.constant 0 : i32
      %dma_wait3A_46 = arith.constant 0 : i32
      %dma_wait3A_47 = tpu.memref_slice %arg9[%dma_wait3A, %dma_wait3A_45, %dma_wait3A_46] : memref<3x96x128xf32, #tpu.memory_space<vmem>> -> memref<1x96x128xf32, #tpu.memory_space<vmem>>
      %dma_wait3A_48 = tpu.memref_squeeze %dma_wait3A_47 : memref<1x96x128xf32, #tpu.memory_space<vmem>> -> memref<96x128xf32, #tpu.memory_space<vmem>>
      %dma_wait3A_49 = arith.constant 0 : i32
      %dma_wait3A_50 = tpu.memref_slice %arg8[%dma_wait3A_44, %dma_wait3A_49] : memref<54x96xi32, #tpu.memory_space<vmem>> -> memref<1x96xi32, #tpu.memory_space<vmem>>
      %dma_wait3A_51 = tpu.memref_squeeze %dma_wait3A_50 : memref<1x96xi32, #tpu.memory_space<vmem>> -> memref<96xi32, #tpu.memory_space<vmem>>
      %dma_wait3A_52 = arith.constant 0 : i32
      %dma_wait3A_53 = arith.constant 0 : i32
      %dma_wait3A_54 = tpu.memref_slice %arg10[%dma_wait3A_52, %dma_wait3A_53] : memref<10240x128xf32, #tpu.memory_space<vmem_shared>> -> memref<10240x128xf32, #tpu.memory_space<vmem_shared>>
      tpu.wait_indirect_dma semaphore(%arg12 : memref<!tpu.dma_semaphore, #tpu.memory_space<semaphore_mem>>) src(%dma_wait3A_48 : memref<96x128xf32, #tpu.memory_space<vmem>>) dst(%dma_wait3A_54 : memref<10240x128xf32, #tpu.memory_space<vmem_shared>>)
    }
    %scan3A_7 = arith.constant 2 : i32
    %barrier3A_8 = arith.constant 0 : index
    tpu.barrier barrier_id(%barrier3A_8)
    "tpu.region"() ({
      %run_scoped3A = tpu.sem_alloc : memref<!tpu.dma_semaphore, #tpu.memory_space<semaphore_mem>>
      %dma_start3A = arith.constant 0 : i32
      %dma_start3A_9 = tpu.memref_slice %arg6[%arg0, %mul3A_2, %dma_start3A] : memref<2x10240x128xf32, #tpu.memory_space<hbm>> -> memref<1x640x128xf32, #tpu.memory_space<hbm>>
      %dma_start3A_10 = tpu.memref_squeeze %dma_start3A_9 : memref<1x640x128xf32, #tpu.memory_space<hbm>> -> memref<640x128xf32, #tpu.memory_space<hbm>>
      %dma_start3A_11 = arith.constant 0 : i32
      %dma_start3A_12 = tpu.memref_slice %arg10[%mul3A_2, %dma_start3A_11] : memref<10240x128xf32, #tpu.memory_space<vmem_shared>> -> memref<640x128xf32, #tpu.memory_space<vmem_shared>>
      tpu.enqueue_dma source(%dma_start3A_12 : memref<640x128xf32, #tpu.memory_space<vmem_shared>>) target(%dma_start3A_10 : memref<640x128xf32, #tpu.memory_space<hbm>>) target_semaphore(%run_scoped3A : memref<!tpu.dma_semaphore, #tpu.memory_space<semaphore_mem>>)
      %dma_wait3A = arith.constant 0 : i32
      %dma_wait3A_13 = tpu.memref_slice %arg6[%arg0, %mul3A_2, %dma_wait3A] : memref<2x10240x128xf32, #tpu.memory_space<hbm>> -> memref<1x640x128xf32, #tpu.memory_space<hbm>>
      %dma_wait3A_14 = tpu.memref_squeeze %dma_wait3A_13 : memref<1x640x128xf32, #tpu.memory_space<hbm>> -> memref<640x128xf32, #tpu.memory_space<hbm>>
      %dma_wait3A_15 = arith.constant 0 : i32
      %dma_wait3A_16 = tpu.memref_slice %arg10[%mul3A_2, %dma_wait3A_15] : memref<10240x128xf32, #tpu.memory_space<vmem_shared>> -> memref<640x128xf32, #tpu.memory_space<vmem_shared>>
      tpu.wait_dma2 semaphore(%run_scoped3A : memref<!tpu.dma_semaphore, #tpu.memory_space<semaphore_mem>>) src(%dma_wait3A_16 : memref<640x128xf32, #tpu.memory_space<vmem_shared>>) dst(%dma_wait3A_14 : memref<640x128xf32, #tpu.memory_space<hbm>>)
      tpu.yield
    }) : () -> ()
    return
  }
}

module attributes {stable_mosaic.version = 14 : i64} {
  func.func @_tc_layer_body(%arg0: i32, %arg1: memref<2000x128xf32, #tpu.memory_space<vmem>>, %arg2: memref<2x2000x128xf32, #tpu.memory_space<vmem>>, %arg3: memref<128x128xf32, #tpu.memory_space<vmem>>, %arg4: memref<1x128xf32, #tpu.memory_space<vmem>>, %arg5: memref<2000x128xf32, #tpu.memory_space<vmem>>) attributes {dimension_semantics = [#tpu.dimension_semantics<arbitrary>], iteration_bounds = array<i64: 5>, scalar_prefetch = 0 : i64, scratch_operands = 0 : i64, tpu.core_type = #tpu.core_type<tc>, window_params = [{transform_indices = @transform_0, window_bounds = array<i64: 2000, 128>}, {transform_indices = @transform_1, window_bounds = array<i64: 2, 2000, 128>}, {pipeline_mode = #tpu.pipeline_mode<synchronous>, transform_indices = @transform_2, window_bounds = array<i64: 128, 128>}, {pipeline_mode = #tpu.pipeline_mode<synchronous>, transform_indices = @transform_3, window_bounds = array<i64: 1, 128>}, {transform_indices = @transform_4, window_bounds = array<i64: 2000, 128>}]} {
    %get3A = arith.constant 0 : index
    %get3A_0 = arith.constant 0 : index
    %get3A_1 = vector.load %arg1[%get3A, %get3A_0] : memref<2000x128xf32, #tpu.memory_space<vmem>>, vector<2000x128xf32>
    %get3A_2 = arith.constant 0 : index
    %get3A_3 = arith.constant 0 : index
    %get3A_4 = arith.constant 0 : index
    %get3A_5 = vector.load %arg2[%get3A_2, %get3A_3, %get3A_4] : memref<2x2000x128xf32, #tpu.memory_space<vmem>>, vector<1x2000x128xf32>
    %get3A_6 = vector.shape_cast %get3A_5 : vector<1x2000x128xf32> to vector<2000x128xf32>
    %add3A = arith.addf %get3A_1, %get3A_6 : vector<2000x128xf32>
    %get3A_7 = arith.constant 1 : index
    %get3A_8 = arith.constant 0 : index
    %get3A_9 = arith.constant 0 : index
    %get3A_10 = vector.load %arg2[%get3A_7, %get3A_8, %get3A_9] : memref<2x2000x128xf32, #tpu.memory_space<vmem>>, vector<1x2000x128xf32>
    %get3A_11 = vector.shape_cast %get3A_10 : vector<1x2000x128xf32> to vector<2000x128xf32>
    %add3A_12 = arith.addf %add3A, %get3A_11 : vector<2000x128xf32>
    %get3A_13 = arith.constant 0 : index
    %get3A_14 = arith.constant 0 : index
    %get3A_15 = vector.load %arg3[%get3A_13, %get3A_14] : memref<128x128xf32, #tpu.memory_space<vmem>>, vector<128x128xf32>
    %dot_general3A = arith.constant dense<0.000000e+00> : vector<2000x128xf32>
    %dot_general3A_16 = tpu.matmul %add3A_12, %get3A_15, %dot_general3A {dimension_numbers = #tpu.dot_dimension_numbers<[1], [0], [0], [1], [0, 0, 1, 1], [], []>, transpose_lhs_hint = false} : vector<2000x128xf32>, vector<128x128xf32>, vector<2000x128xf32> -> vector<2000x128xf32>
    %get3A_17 = arith.constant 0 : index
    %get3A_18 = arith.constant 0 : index
    %get3A_19 = vector.load %arg4[%get3A_17, %get3A_18] : memref<1x128xf32, #tpu.memory_space<vmem>>, vector<1x128xf32>
    %add3A_20 = vector.broadcast %get3A_19 : vector<1x128xf32> to vector<2000x128xf32>
    %add3A_21 = arith.addf %dot_general3A_16, %add3A_20 : vector<2000x128xf32>
    %max3A = arith.constant 0.000000e+00 : f32
    %max3A_22 = vector.broadcast %max3A : f32 to vector<2000x128xf32>
    %max3A_23 = arith.maximumf %add3A_21, %max3A_22 : vector<2000x128xf32>
    %swap3A = arith.constant 0 : index
    %swap3A_24 = arith.constant 0 : index
    %swap3A_25 = vector.load %arg5[%swap3A, %swap3A_24] : memref<2000x128xf32, #tpu.memory_space<vmem>>, vector<2000x128xf32>
    tpu.vector_store %arg5[%swap3A, %swap3A_24], %max3A_23 {strides = array<i32>} : memref<2000x128xf32, #tpu.memory_space<vmem>>, vector<2000x128xf32>,
    return
  }
  func.func @transform_0(%arg0: i32) -> (i32, i32) {
    %c0_i32 = arith.constant 0 : i32
    %c0_i32_0 = arith.constant 0 : i32
    return %arg0, %c0_i32 : i32, i32
  }
  func.func @transform_1(%arg0: i32) -> (i32, i32, i32) {
    %c0_i32 = arith.constant 0 : i32
    %c0_i32_0 = arith.constant 0 : i32
    %c0_i32_1 = arith.constant 0 : i32
    return %c0_i32, %arg0, %c0_i32_0 : i32, i32, i32
  }
  func.func @transform_2(%arg0: i32) -> (i32, i32) {
    %c0_i32 = arith.constant 0 : i32
    %c0_i32_0 = arith.constant 0 : i32
    %c0_i32_1 = arith.constant 0 : i32
    return %c0_i32, %c0_i32_0 : i32, i32
  }
  func.func @transform_3(%arg0: i32) -> (i32, i32) {
    %c0_i32 = arith.constant 0 : i32
    %c0_i32_0 = arith.constant 0 : i32
    %c0_i32_1 = arith.constant 0 : i32
    return %c0_i32, %c0_i32_0 : i32, i32
  }
  func.func @transform_4(%arg0: i32) -> (i32, i32) {
    %c0_i32 = arith.constant 0 : i32
    %c0_i32_0 = arith.constant 0 : i32
    return %arg0, %c0_i32 : i32, i32
  }
}

module attributes {stable_mosaic.version = 14 : i64} {
  func.func @_tc_final_body(%arg0: i32, %arg1: memref<2000x128xf32, #tpu.memory_space<vmem>>, %arg2: memref<2x2000x128xf32, #tpu.memory_space<vmem>>, %arg3: memref<128x128xf32, #tpu.memory_space<vmem>>, %arg4: memref<1x128xf32, #tpu.memory_space<vmem>>, %arg5: memref<128x10xf32, #tpu.memory_space<vmem>>, %arg6: memref<1x10xf32, #tpu.memory_space<vmem>>, %arg7: memref<1x10xf32, #tpu.memory_space<vmem>>, %arg8: memref<1x128xf32, #tpu.memory_space<vmem>>) attributes {dimension_semantics = [#tpu.dimension_semantics<arbitrary>], iteration_bounds = array<i64: 5>, scalar_prefetch = 0 : i64, scratch_operands = 1 : i64, tpu.core_type = #tpu.core_type<tc>, window_params = [{transform_indices = @transform_0, window_bounds = array<i64: 2000, 128>}, {transform_indices = @transform_1, window_bounds = array<i64: 2, 2000, 128>}, {pipeline_mode = #tpu.pipeline_mode<synchronous>, transform_indices = @transform_2, window_bounds = array<i64: 128, 128>}, {pipeline_mode = #tpu.pipeline_mode<synchronous>, transform_indices = @transform_3, window_bounds = array<i64: 1, 128>}, {pipeline_mode = #tpu.pipeline_mode<synchronous>, transform_indices = @transform_4, window_bounds = array<i64: 128, 10>}, {pipeline_mode = #tpu.pipeline_mode<synchronous>, transform_indices = @transform_5, window_bounds = array<i64: 1, 10>}, {pipeline_mode = #tpu.pipeline_mode<synchronous>, transform_indices = @transform_6, window_bounds = array<i64: 1, 10>}]} {
    %get3A = arith.constant 0 : index
    %get3A_0 = arith.constant 0 : index
    %get3A_1 = vector.load %arg1[%get3A, %get3A_0] : memref<2000x128xf32, #tpu.memory_space<vmem>>, vector<2000x128xf32>
    %get3A_2 = arith.constant 0 : index
    %get3A_3 = arith.constant 0 : index
    %get3A_4 = arith.constant 0 : index
    %get3A_5 = vector.load %arg2[%get3A_2, %get3A_3, %get3A_4] : memref<2x2000x128xf32, #tpu.memory_space<vmem>>, vector<1x2000x128xf32>
    %get3A_6 = vector.shape_cast %get3A_5 : vector<1x2000x128xf32> to vector<2000x128xf32>
    %add3A = arith.addf %get3A_1, %get3A_6 : vector<2000x128xf32>
    %get3A_7 = arith.constant 1 : index
    %get3A_8 = arith.constant 0 : index
    %get3A_9 = arith.constant 0 : index
    %get3A_10 = vector.load %arg2[%get3A_7, %get3A_8, %get3A_9] : memref<2x2000x128xf32, #tpu.memory_space<vmem>>, vector<1x2000x128xf32>
    %get3A_11 = vector.shape_cast %get3A_10 : vector<1x2000x128xf32> to vector<2000x128xf32>
    %add3A_12 = arith.addf %add3A, %get3A_11 : vector<2000x128xf32>
    %get3A_13 = arith.constant 0 : index
    %get3A_14 = arith.constant 0 : index
    %get3A_15 = vector.load %arg3[%get3A_13, %get3A_14] : memref<128x128xf32, #tpu.memory_space<vmem>>, vector<128x128xf32>
    %dot_general3A = arith.constant dense<0.000000e+00> : vector<2000x128xf32>
    %dot_general3A_16 = tpu.matmul %add3A_12, %get3A_15, %dot_general3A {dimension_numbers = #tpu.dot_dimension_numbers<[1], [0], [0], [1], [0, 0, 1, 1], [], []>, transpose_lhs_hint = false} : vector<2000x128xf32>, vector<128x128xf32>, vector<2000x128xf32> -> vector<2000x128xf32>
    %get3A_17 = arith.constant 0 : index
    %get3A_18 = arith.constant 0 : index
    %get3A_19 = vector.load %arg4[%get3A_17, %get3A_18] : memref<1x128xf32, #tpu.memory_space<vmem>>, vector<1x128xf32>
    %add3A_20 = vector.broadcast %get3A_19 : vector<1x128xf32> to vector<2000x128xf32>
    %add3A_21 = arith.addf %dot_general3A_16, %add3A_20 : vector<2000x128xf32>
    %max3A = arith.constant 0.000000e+00 : f32
    %max3A_22 = vector.broadcast %max3A : f32 to vector<2000x128xf32>
    %max3A_23 = arith.maximumf %add3A_21, %max3A_22 : vector<2000x128xf32>
    %reduce_sum3A = arith.constant dense<0.000000e+00> : vector<128xf32>
    %reduce_sum3A_24 = vector.multi_reduction <add>, %max3A_23, %reduce_sum3A [0] : vector<2000x128xf32> to vector<128xf32>
    %broadcast_in_dim3A = vector.shape_cast %reduce_sum3A_24 : vector<128xf32> to vector<1x128xf32>
    %eq3A = arith.constant 0 : i32
    %eq3A_25 = arith.cmpi eq, %arg0, %eq3A : i32
    %convert_element_type3A = arith.extui %eq3A_25 : i1 to i32
    %cond3A = arith.constant 0 : i32
    %cond3A_26 = arith.cmpi ne, %convert_element_type3A, %cond3A : i32
    scf.if %cond3A_26 {
      %swap3A = arith.constant 0 : index
      %swap3A_36 = arith.constant 0 : index
      %swap3A_37 = vector.load %arg8[%swap3A, %swap3A_36] : memref<1x128xf32, #tpu.memory_space<vmem>>, vector<1x128xf32>
      tpu.vector_store %arg8[%swap3A, %swap3A_36], %broadcast_in_dim3A {strides = array<i32>} : memref<1x128xf32, #tpu.memory_space<vmem>>, vector<1x128xf32>,
    } else {
    }
    %gt3A = arith.constant 0 : i32
    %gt3A_27 = arith.cmpi sgt, %arg0, %gt3A : i32
    %convert_element_type3A_28 = arith.extui %gt3A_27 : i1 to i32
    %cond3A_29 = arith.constant 0 : i32
    %cond3A_30 = arith.cmpi ne, %convert_element_type3A_28, %cond3A_29 : i32
    scf.if %cond3A_30 {
      %get3A_36 = arith.constant 0 : index
      %get3A_37 = arith.constant 0 : index
      %get3A_38 = vector.load %arg8[%get3A_36, %get3A_37] : memref<1x128xf32, #tpu.memory_space<vmem>>, vector<1x128xf32>
      %add3A_39 = arith.addf %get3A_38, %broadcast_in_dim3A : vector<1x128xf32>
      %swap3A = arith.constant 0 : index
      %swap3A_40 = arith.constant 0 : index
      %swap3A_41 = vector.load %arg8[%swap3A, %swap3A_40] : memref<1x128xf32, #tpu.memory_space<vmem>>, vector<1x128xf32>
      tpu.vector_store %arg8[%swap3A, %swap3A_40], %add3A_39 {strides = array<i32>} : memref<1x128xf32, #tpu.memory_space<vmem>>, vector<1x128xf32>,
    } else {
    }
    %eq3A_31 = arith.constant 4 : i32
    %eq3A_32 = arith.cmpi eq, %arg0, %eq3A_31 : i32
    %convert_element_type3A_33 = arith.extui %eq3A_32 : i1 to i32
    %cond3A_34 = arith.constant 0 : i32
    %cond3A_35 = arith.cmpi ne, %convert_element_type3A_33, %cond3A_34 : i32
    scf.if %cond3A_35 {
      %get3A_36 = arith.constant 0 : index
      %get3A_37 = arith.constant 0 : index
      %get3A_38 = vector.load %arg8[%get3A_36, %get3A_37] : memref<1x128xf32, #tpu.memory_space<vmem>>, vector<1x128xf32>
      %mul3A = arith.constant 9.99999974E-5 : f32
      %mul3A_39 = vector.broadcast %mul3A : f32 to vector<1x128xf32>
      %mul3A_40 = arith.mulf %get3A_38, %mul3A_39 : vector<1x128xf32>
      %get3A_41 = arith.constant 0 : index
      %get3A_42 = arith.constant 0 : index
      %get3A_43 = vector.load %arg5[%get3A_41, %get3A_42] : memref<128x10xf32, #tpu.memory_space<vmem>>, vector<128x10xf32>
      %dot_general3A_44 = arith.constant dense<0.000000e+00> : vector<1x10xf32>
      %dot_general3A_45 = tpu.matmul %mul3A_40, %get3A_43, %dot_general3A_44 {dimension_numbers = #tpu.dot_dimension_numbers<[1], [0], [0], [1], [0, 0, 1, 1], [], []>, transpose_lhs_hint = false} : vector<1x128xf32>, vector<128x10xf32>, vector<1x10xf32> -> vector<1x10xf32>
      %get3A_46 = arith.constant 0 : index
      %get3A_47 = arith.constant 0 : index
      %get3A_48 = vector.load %arg6[%get3A_46, %get3A_47] : memref<1x10xf32, #tpu.memory_space<vmem>>, vector<1x10xf32>
      %add3A_49 = arith.addf %dot_general3A_45, %get3A_48 : vector<1x10xf32>
      %swap3A = arith.constant 0 : index
      %swap3A_50 = arith.constant 0 : index
      %swap3A_51 = vector.load %arg7[%swap3A, %swap3A_50] : memref<1x10xf32, #tpu.memory_space<vmem>>, vector<1x10xf32>
      tpu.vector_store %arg7[%swap3A, %swap3A_50], %add3A_49 {strides = array<i32>} : memref<1x10xf32, #tpu.memory_space<vmem>>, vector<1x10xf32>,
    } else {
    }
    return
  }
  func.func @transform_0(%arg0: i32) -> (i32, i32) {
    %c0_i32 = arith.constant 0 : i32
    %c0_i32_0 = arith.constant 0 : i32
    return %arg0, %c0_i32 : i32, i32
  }
  func.func @transform_1(%arg0: i32) -> (i32, i32, i32) {
    %c0_i32 = arith.constant 0 : i32
    %c0_i32_0 = arith.constant 0 : i32
    %c0_i32_1 = arith.constant 0 : i32
    return %c0_i32, %arg0, %c0_i32_0 : i32, i32, i32
  }
  func.func @transform_2(%arg0: i32) -> (i32, i32) {
    %c0_i32 = arith.constant 0 : i32
    %c0_i32_0 = arith.constant 0 : i32
    %c0_i32_1 = arith.constant 0 : i32
    return %c0_i32, %c0_i32_0 : i32, i32
  }
  func.func @transform_3(%arg0: i32) -> (i32, i32) {
    %c0_i32 = arith.constant 0 : i32
    %c0_i32_0 = arith.constant 0 : i32
    %c0_i32_1 = arith.constant 0 : i32
    return %c0_i32, %c0_i32_0 : i32, i32
  }
  func.func @transform_4(%arg0: i32) -> (i32, i32) {
    %c0_i32 = arith.constant 0 : i32
    %c0_i32_0 = arith.constant 0 : i32
    %c0_i32_1 = arith.constant 0 : i32
    return %c0_i32, %c0_i32_0 : i32, i32
  }
  func.func @transform_5(%arg0: i32) -> (i32, i32) {
    %c0_i32 = arith.constant 0 : i32
    %c0_i32_0 = arith.constant 0 : i32
    %c0_i32_1 = arith.constant 0 : i32
    return %c0_i32, %c0_i32_0 : i32, i32
  }
  func.func @transform_6(%arg0: i32) -> (i32, i32) {
    %c0_i32 = arith.constant 0 : i32
    %c0_i32_0 = arith.constant 0 : i32
    %c0_i32_1 = arith.constant 0 : i32
    return %c0_i32, %c0_i32_0 : i32, i32
  }
}

</mosaic_0001>

<sc_bundles>
// kernel: kernel.11.cloned.1.call-start
scs
__scs_entry_jumppad:
0x0: {  	(pc) =	sbr.rel $0x88, $3  }
0x1: {  	(tag) =	ssettag $0x0;
	lr =	simm.s32 $0x1  }
0x2: {  	[smem:$0x3F97] =	sst lr;
	_ =	strace $0xD0000000  }
0x3: {  	_ = 	snop  }
0x4: {  	_ = 	snop  }
0x5: {  	_ = 	snop  }
0x6: {  	_ = 	snop  }
0x7: {  	_ = 	snop  }
__scs_overlays_trampoline_lowered:
0x8: {  	[smem:$0x3FA6] =	sst s0  }
0x9: {  	[smem:$0x3FA7] =	sst s1  }
0xa: {  	[smem:$0x3FA8] =	sst s2  }
0xb: {  	[smem:$0x3FA9] =	sst s3  }
0xc: {  	[smem:$0x3FAA] =	sst s4  }
0xd: {  	[smem:$0x3FAB] =	sst s5  }
0xe: {  	[smem:$0x3FAC] =	sst s6  }
0xf: {  	[smem:$0x3FAD] =	sst s7  }
0x10: {  	[smem:$0x3FAE] =	sst s8  }
0x11: {  	[smem:$0x3FAF] =	sst s9;
	s0 =	simm.s32 @!p0 $0x0  }
0x12: {  	s1 =	sld [smem:$0x3F95];
	s0 =	simm.s32 @p0 $0x1  }
0x13: {  	[smem:$0x3FB0] =	sst s0;
	s0 =	simm.s32 @!p1 $0x0  }
0x14: {  	s2 =	sld [smem:$0x3F94];
	s0 =	simm.s32 @p1 $0x1  }
0x15: {  	[smem:$0x3FB1] =	sst s0;
	s0 =	simm.s32 @!p2 $0x0  }
0x16: {  	s3 =	sld [smem:$0x3FDB];
	s0 =	simm.s32 @p2 $0x1  }
0x17: {  	s4 =	simm.s32 $0x1BF5;
	[smem:$0x3FB3] =	sst s0  }
0x18: {  	s0 =	sld [smem:$0x3F96];
	_ =	swait.ge [sflag:s4], $0x0  }
0x19: {  	s7 =	sld [smem:$0x3F97]  }
0x1a: {  	s8 =	sadd.s32 $0xFFFFE003, lr  }
0x1b: {  	s9 =	sadd.s32 $0xFFFFFEF7, lr;
	s5 =	simm.s32 $0xFFFFFFFF;
	p2 =	slt.u32 s8, $0xFFFFF086  }
0x1c: {  	p1 =	slt.u32 s9, $0xF7A;
	s5 =	simm.s32 @!p2 $0x0  }
0x1d: {  	s5 =	simm.s32 @p1 $0x1;
	p0 =	seq.s32 s7, s2  }
0x1e: {  	s7 =	smul.u32 @!p0 $0xF7A, s2;
	p2 =	seq.s32 @!p0 s5, $0x0  }
0x1f: {  	s9 =	smul.u32 $0xF7A, s1;
	s8 =	simm.s32 @!p0 $0x1BF5;
	p2 =	por !p2, p0  }
0x20: {  	[sflag:s8] =	ssyncset.s32 @!p0 $0xFFFFF086;
	s6 =	sadd.s32 @!p0 s3, s7;
	s7 =	simm.s32 @!p0 $0x108  }
0x21: {  	s3 =	sadd.s32 s3, s9;
	s6 =	sadd.s32 @!p0 $0x88, s6;
	s7 =	simm.s32 @p2 $0x1082  }
0x22: {  	[simem:s7], [sflag:s8] =	dma.local @!p0 [hbm:s6], $0xF7A  }
0x23: {  	s9 =	sor.u32 $0xD0000000, s2;
	s6 =	simm.s32 $0x108;
	_ =	swait.ge @!p0 [sflag:s8], $0x0  }
0x24: {  	s3 =	sadd.s32 $0x88, s3;
	s6 =	simm.s32 @!p1 $0x1082;
	[sflag:s4] =	ssyncset.s32 $0xFFFFF086  }
0x25: {  	[simem:s6], [sflag:s4] =	dma.local [hbm:s3], $0xF7A  }
0x26: {  	[smem:$0x3F97] =	sst s1;
	(tag) =	ssettag s2;
	_ =	strace s9  }
0x27: {  	s1 =	sld [smem:$0x3FA7]  }
0x28: {  	s2 =	sld [smem:$0x3FA8]  }
0x29: {  	s4 =	sld [smem:$0x3FAA]  }
0x2a: {  	p0 =	seq.s32 s5, $0x0;
	s5 =	sld [smem:$0x3FAB]  }
0x2b: {  	s6 =	sld [smem:$0x3FAC]  }
0x2c: {  	s7 =	sld [smem:$0x3FAD]  }
0x2d: {  	s3 =	simm.s32 $0x108;
	s8 =	sld [smem:$0x3FAE]  }
0x2e: {  	s3 =	simm.s32 @!p0 $0x1082;
	s9 =	sld [smem:$0x3FAF]  }
0x2f: {  	lr =	sadd.s32 s0, s3;
	s0 =	sld [smem:$0x3FA6]  }
0x30: {  	s3 =	sld [smem:$0x3FA9]  }
0x31: {  	[smem:$0x3FB2] =	sst s10  }
0x32: {  	s10 =	sld [smem:$0x3FB0];
	_ =	sdelay $0x3  }
0x33: {  	p0 =	seq.s32 s10, $0x1;
	s10 =	sld [smem:$0x3FB2];
	_ =	sdelay $0x3  }
0x34: {  	[smem:$0x3FB2] =	sst s10  }
0x35: {  	s10 =	sld [smem:$0x3FB1];
	_ =	sdelay $0x3  }
0x36: {  	p1 =	seq.s32 s10, $0x1;
	s10 =	sld [smem:$0x3FB2];
	_ =	sdelay $0x3  }
0x37: {  	[smem:$0x3FB2] =	sst s10  }
0x38: {  	s10 =	sld [smem:$0x3FB3]  }
0x39: {  	_ = 	snop;
	(pc) =	sbr.ind lr, $3  }
0x3a: {  	_ = 	snop  }
0x3b: {  	_ = 	snop  }
0x3c: {  	p2 =	seq.s32 s10, $0x1;
	s10 =	sld [smem:$0x3FB2]  }
0x3d: {  	_ =	shalt  }
0x3e: {  	_ =	shalt  }
0x3f: {  	_ =	shalt  }
0x40: {  	_ =	shalt  }
0x41: {  	_ =	shalt  }
0x42: {  	_ =	shalt  }
0x43: {  	_ =	shalt  }
0x44: {  	_ =	shalt  }
0x45: {  	_ =	shalt  }
0x46: {  	_ =	shalt  }
0x47: {  	_ =	shalt  }
0x48: {  	_ =	shalt  }
0x49: {  	_ =	shalt  }
0x4a: {  	_ =	shalt  }
0x4b: {  	_ =	shalt  }
0x4c: {  	_ =	shalt  }
0x4d: {  	_ =	shalt  }
0x4e: {  	_ =	shalt  }
0x4f: {  	_ =	shalt  }
0x50: {  	_ =	shalt  }
0x51: {  	_ =	shalt  }
0x52: {  	_ =	shalt  }
0x53: {  	_ =	shalt  }
0x54: {  	_ =	shalt  }
0x55: {  	_ =	shalt  }
0x56: {  	_ =	shalt  }
0x57: {  	_ =	shalt  }
0x58: {  	_ =	shalt  }
0x59: {  	_ =	shalt  }
0x5a: {  	_ =	shalt  }
0x5b: {  	_ =	shalt  }
0x5c: {  	_ =	shalt  }
0x5d: {  	_ =	shalt  }
0x5e: {  	_ =	shalt  }
0x5f: {  	_ =	shalt  }
0x60: {  	_ =	shalt  }
0x61: {  	_ =	shalt  }
0x62: {  	_ =	shalt  }
0x63: {  	_ =	shalt  }
0x64: {  	_ =	shalt  }
0x65: {  	_ =	shalt  }
0x66: {  	_ =	shalt  }
0x67: {  	_ =	shalt  }
0x68: {  	_ =	shalt  }
0x69: {  	_ =	shalt  }
0x6a: {  	_ =	shalt  }
0x6b: {  	_ =	shalt  }
0x6c: {  	_ =	shalt  }
0x6d: {  	_ =	shalt  }
0x6e: {  	_ =	shalt  }
0x6f: {  	_ =	shalt  }
0x70: {  	_ =	shalt  }
0x71: {  	_ =	shalt  }
0x72: {  	_ =	shalt  }
0x73: {  	_ =	shalt  }
0x74: {  	_ =	shalt  }
0x75: {  	_ =	shalt  }
0x76: {  	_ =	shalt  }
0x77: {  	_ =	shalt  }
0x78: {  	_ =	shalt  }
0x79: {  	_ =	shalt  }
0x7a: {  	_ =	shalt  }
0x7b: {  	_ =	shalt  }
0x7c: {  	_ =	shalt  }
0x7d: {  	_ =	shalt  }
0x7e: {  	_ =	shalt  }
0x7f: {  	_ =	shalt  }
0x80: {  	_ =	shalt  }
0x81: {  	_ =	shalt  }
0x82: {  	_ =	shalt  }
0x83: {  	_ =	shalt  }
0x84: {  	_ =	shalt  }
0x85: {  	_ =	shalt  }
0x86: {  	_ =	shalt  }
0x87: {  	_ =	shalt  }
.Lfunc_end0:
.L_simem_size_0:
called_computation.1_lowered:
.L_overlay_start_0:
0x88: {  	s2 =	sld [smem:$0x3FD9]  }
0x89: {  	s3 =	sld [smem:$0x3FFE];
	_ =	sdelay $0x1  }
0x8a: {  	s1 =	srdreg.scid  }
0x8b: {  	s0 =	sand.u32 $0x1, s1  }
0x8c: {  	s16 =	sshll.u32 s0, $0xA;
	s2 =	sadd.s32 s3, s2  }
0x8d: {  	s2 =	sadd.s32 s2, s16  }
0x8e: {  	[smem:$0x3FBE] =	sst s2  }
0x8f: {  	_ = 	snop  }
0x90: {  	(tm) =	ssettm $0x1  }
0x91: {  	s17 =	sld [smem:$0x3FFB];
	_ =	sdelay $0x3  }
0x92: {  	_ =	strace s17  }
0x93: {  	s2 =	sld [smem:$0x3FFC];
	_ =	sdelay $0x3  }
0x94: {  	_ =	strace s2  }
0x95: {  	s2 =	sld [smem:$0x3FFD];
	_ =	sdelay $0x3  }
0x96: {  	_ =	strace s2  }
0x97: {  	_ =	strace $0x8FFFFFFF  }
0x98: {  	s18 =	sld [smem:$0x3FDB];
	_ =	sdelay $0x1  }
0x99: {  	s19 =	simm.s32 $_scs_section_size  }
0x9a: {  	s4 =	simm.s32 $_size__tile_overlayer_lowered;
	s5 =	simm.s32 $_tile_overlayer_lowered  }
0x9b: {  	s22 =	simm.s32 $0x1BFF;
	s21 =	sshll.u32 s5, $0x1;
	s2 =	sadd.s32 s19, s18  }
0x9c: {  	s6 =	simm.s32 $0x0;
	s20 =	sshll.u32 s4, $0x1;
	s4 =	sadd.s32 s21, s2  }
0x9d: {  	[timem:s6], [sflag:s22] =	dma.local [hbm:s4], s20  }
0x9e: {  	_ =	swait.ge [sflag:s22], s20  }
0x9f: {  	s3 =	ssub.s32 $0x0, s20;
	[sflag:s22] =	ssyncset.done $0x0  }
0xa0: {  	[sflag:s22] =	ssyncadd.s32 s3;
	_ =	sdelay $0x1  }
0xa1: {  	s23 =	simm.s32 $0x1B8B  }
0xa2: {  	_ =	swait.ge [sflag:s23], $0x1  }
0xa3: {  	[sflag:s23] =	ssyncset.done $0x0  }
0xa4: {  	s25 =	simm.s32 $0x1B8E;
	s24 =	sld [smem:$0x3FFE];
	[sflag:s23] =	ssyncadd.s32 $0xFFFFFFFF  }
0xa5: {  	s26 =	simm.s32 $execute0_lowered;
	[smem:$0x3FD2] =	sst s25  }
0xa6: {  	s4 =	sshll.u32 s26, $0x1;
	_ =	strace $0x80000049;
	[dreg:$0x1] =	wrdreg $0xFFFFFFFF  }
0xa7: {  	s28 =	simm.s32 $_size_execute0_lowered;
	s2 =	sadd.s32 s2, s4;
	[dreg:$0x0] =	wrdreg $0x0  }
0xa8: {  	s4 =	sshll.u32 s28, $0x1;
	[dreg:$0x2] =	wrdreg s2  }
0xa9: {  	[dreg:$0x3] =	wrdreg s4  }
0xaa: {  	[dreg:$0x4] =	wrdreg $0xC0  }
0xab: {  	_ =	task [dreg:s6], $0x5FFFF  }
0xac: {  	[dreg:$0x1] =	wrdreg $0xFFFFFFFF  }
0xad: {  	[dreg:$0x0] =	wrdreg $0x60  }
0xae: {  	[dreg:$0x2] =	wrdreg s24  }
0xaf: {  	[dreg:$0x3] =	wrdreg $0xB8800  }
0xb0: {  	[dreg:$0x4] =	wrdreg $0x9  }
0xb1: {  	_ =	task.clear_ibuf [dreg:s6], $0x5FFFF;
	_ =	strace $0x90000049  }
0xb2: {  	s29 =	simm.s32 $0x9;
	_ =	strace $0x8000004B  }
0xb3: {  	_ =	swait.ge [sflag:s29], $0x1  }
0xb4: {  	[sflag:s29] =	ssyncadd.s32 $0xFFFFFFFF  }
0xb5: {  	_ =	strace $0x9000004B  }
0xb6: {  	_ =	sfence  }
0xb7: {  	s30 =	sld [smem:$0x0];
	_ =	sdelay $0x2  }
0xb8: {  	s31 =	sshll.u32 s1, $0xD;
	s1 =	sshrl.u32 s1, $0x2  }
0xb9: {  	s3 =	sand.u32 $0x4000, s31;
	s1 =	sadd.s32 s1, s30  }
0xba: {  	s0 =	sor.u32 s3, s0;
	s1 =	sshll.u32 s1, $0x11  }
0xbb: {  	s0 =	sor.u32 s1, s0  }
0xbc: {  	s0 =	sadd.s32 $0x8F2B, s0  }
0xbd: {  	[sflag:s0] =	ssyncadd.remote.s32 $0x1  }
0xbe: {  	_ =	sfence.sel $0xFFFF  }
0xbf: {  	[dreg:$0x0] =	wrdreg $0xFFFFFFFF;
	(pc) =	sbr.abs _section_cstart, $3  }
0xc0: {  	[dreg:$0x1] =	wrdreg $0xFFFFFFFF  }
0xc1: {  	_ =	task.clear_ibuf [dreg:s6], $0x2FFFF;
	_ =	strace $0x9FFFFFFF  }
0xc2: {  	(tm) =	ssettm $0x7FFFFFFF  }
0xc3: {  	_ =	shalt  }
tec
execute0_lowered:
.L_overlay_start_1:
0x0: {  	(tag) =	ssettag $0x1  }
0x1: {  	s7 =	rddreg [dreg:$0x0]  }
0x2: {  	s2 =	rddreg [dreg:$0x1]  }
0x3: {  	s0 =	rddreg [dreg:$0x2];
	s3 =	simm.s32 $0x0  }
0x4: {  	s1 =	stileid.u32;
	s4 =	srdreg.scid;
	s14 =	simm.s32 $0x1440  }
0x5: {  	s15 =	simm.s32 $0x60;
	s16 =	simm.s32 $0x2880;
	s17 =	simm.s32 $0x5880  }
0x6: {  	s18 =	simm.s32 $0x1;
	s19 =	simm.s32 $0xC0;
	s20 =	simm.s32 $0x8880  }
0x7: {  	s21 =	simm.s32 $0x14A0;
	s22 =	simm.s32 $0x2;
	s23 =	simm.s32 $0x120  }
0x8: {  	s24 =	simm.s32 $0x1500;
	s25 =	simm.s32 $0x180;
	[smem:$0x7FF] =	sst s3  }
0x9: {  	s8 =	smul.u32 $0x14000, s1;
	s9 =	sand.u32 $0x1, s4;
	s4 =	sadd.s32 $0x3FC00, s7  }
0xa: {  	s5 =	sadd.s32 $0x3800, s7;
	s6 =	sadd.s32 $0xDA00, s7;
	s31 =	sshll.u32 s1, $0x6  }
0xb: {  	_ =	strace $0x8000004A;
	s10 =	smul.u32 $0x140000, s9;
	s12 =	ssub.s32 $0x2, s9  }
0xc: {  	s9 =	sshll.u32 s9, $0x4;
	s11 =	sshrl.u32 s8, $0x3;
	s13 =	sshrl.u32 s12, $0x1  }
.Ltmp0:
0xd: {  	s9 =	sor.u32 s1, s9;
	s30 =	sadd.s32 s8, s2;
	(pc) =	sbr.rel .LBB2_1-.Ltmp0, $4  }
0xe: {  	s11 =	sadd.s32 s11, s7;
	s10 =	sadd.s32 s8, s10;
	s12 =	ssub.s32 s12, s13  }
0xf: {  	s8 =	sor.u32 $0x1C03, s31;
	s9 =	smul.u32 $0x6C, s9;
	s10 =	sshrl.u32 s10, $0x3  }
0x10: {  	s13 =	simm.s32 $0x3;
	s10 =	sadd.s32 s10, s7;
	s7 =	sadd.s32 $0x17C00, s11  }
0x11: {  	s11 =	smax.u32 s12, $0x1;
	s12 =	sshrl.u32 s30, $0x3;
	s10 =	sadd.s32 $0x66E00, s10  }
.LBB2_6:
0x12: {  	s3 =	sadd.s32 $0x1, s3  }
0x13: {  	p0 =	sne.s32 s3, s11  }
.Ltmp1:
0x14: {  	[bflag:$0x0] =	sbarrier.arrive $0xFFFF;
	(pc) =	sbr.rel @!p0 .LBB2_7-.Ltmp1, $4  }
0x15: {  	[hbm:s10], [sflag:s8] =	dma.local [spmem:s12], $0x2800  }
0x16: {  	_ =	swait.ge [sflag:s13], $0x2800  }
0x17: {  	[sflag:s13] =	ssyncset.done $0x0  }
0x18: {  	[sflag:s13] =	ssyncadd.s32 $0xFFFFD800  }
.LBB2_1:
0x19: {  	[spmem:s12], [sflag:s8] =	dma.local [hbm:s7], $0x2800  }
.Ltmp2:
0x1a: {  	_ =	swait.ge [sflag:s13], $0x2800;
	(pc) =	sbr.rel .LBB2_2-.Ltmp2, $4  }
0x1b: {  	[sflag:s13] =	ssyncset.done $0x0  }
0x1c: {  	[sflag:s13] =	ssyncadd.s32 $0xFFFFD800  }
0x1d: {  	[bflag:$0x0] =	sbarrier.arrive $0xFFFF  }
0x1e: {  	p1 =	por $0x1, $0x1;
	s26 =	simm.s32 $0x0  }
.LBB2_5:
0x1f: {  	_ =	swait.ge [sflag:s18], $0x3000  }
0x20: {  	[sflag:s18] =	ssyncset.done $0x0  }
0x21: {  	[sflag:s18] =	ssyncadd.s32 $0xFFFFD000  }
0x22: {  	[spmem:s2] =	stream.indirect.scatter.add.f32 [tilespmem:s20], [sflag:$0x2], $0x80, s29, s15, $0xb8;
	[tilespmem:$0x1F880] =	vst v63  }
0x23: {  	_ =	swait.ge [sflag:s22], $0x3000  }
.Ltmp3:
0x24: {  	[sflag:s22] =	ssyncset.done $0x0;
	(pc) =	sbr.rel @!p0 .LBB2_6-.Ltmp3, $4  }
0x25: {  	[sflag:s22] =	ssyncadd.s32 $0xFFFFD000  }
0x26: {  	_ =	swait.ge [sflag:s22], $0x3000  }
0x27: {  	[sflag:s22] =	ssyncset.done $0x0  }
0x28: {  	s26 =	simm.s32 $0x36;
	p1 =	por $0x0, $0x0;
	[sflag:s22] =	ssyncadd.s32 $0xFFFFD000  }
.LBB2_2:
0x29: {  	s26 =	sadd.s32 s9, s26  }
0x2a: {  	s28 =	smul.u32 $0xC, s26;
	_ =	sdelay $0x1  }
0x2b: {  	s26 =	simm.s32 $0x0;
	s29 =	sadd.s32 s5, s28  }
0x2c: {  	[tilespmem:s26], [sflag:$0x3] =	stream.linear.gather [hbm4b:s29+s26], $0x1440, $0x38;
	[tilespmem:$0x1F880] =	vst v63  }
0x2d: {  	_ =	swait.ge [sflag:s13], $0x1440  }
0x2e: {  	[sflag:s13] =	ssyncset.done $0x0  }
0x2f: {  	s28 =	sadd.s32 s6, s28;
	[sflag:s13] =	ssyncadd.s32 $0xFFFFEBC0  }
0x30: {  	[tilespmem:s14], [sflag:$0x3] =	stream.linear.gather [hbm4b:s28+s26], $0x1440, $0x38;
	[tilespmem:$0x1F880] =	vst v63  }
0x31: {  	_ =	swait.ge [sflag:s13], $0x1440  }
0x32: {  	[sflag:s13] =	ssyncset.done $0x0  }
0x33: {  	[sflag:s13] =	ssyncadd.s32 $0xFFFFEBC0  }
0x34: {  	[tilespmem:s16], [sflag:$0x1] =	stream.indirect.gather [hbm4b:s4+s15], $0x80, s26, s15, $0xb8;
	[tilespmem:$0x1F880] =	vst v63  }
0x35: {  	_ = 	snop  }
0x36: {  	[tilespmem:s17], [sflag:$0x1] =	stream.indirect.gather [hbm4b:s4+s15], $0x80, s15, s15, $0xb8;
	[tilespmem:$0x1F880] =	vst v63  }
0x37: {  	_ =	swait.ge [sflag:s18], $0x3000  }
0x38: {  	[sflag:s18] =	ssyncset.done $0x0  }
0x39: {  	[sflag:s18] =	ssyncadd.s32 $0xFFFFD000  }
0x3a: {  	[spmem:s2] =	stream.indirect.scatter.add.f32 [tilespmem:s16], [sflag:$0x2], $0x80, s14, s15, $0xb8;
	[tilespmem:$0x1F880] =	vst v63  }
0x3b: {  	_ = 	snop  }
0x3c: {  	[tilespmem:s20], [sflag:$0x1] =	stream.indirect.gather [hbm4b:s4+s15], $0x80, s19, s15, $0xb8;
	[tilespmem:$0x1F880] =	vst v63  }
0x3d: {  	_ =	swait.ge [sflag:s18], $0x3000  }
0x3e: {  	[sflag:s18] =	ssyncset.done $0x0  }
0x3f: {  	[sflag:s18] =	ssyncadd.s32 $0xFFFFD000  }
0x40: {  	[spmem:s2] =	stream.indirect.scatter.add.f32 [tilespmem:s17], [sflag:$0x2], $0x80, s21, s15, $0xb8;
	[tilespmem:$0x1F880] =	vst v63  }
0x41: {  	_ =	swait.ge [sflag:s22], $0x3000  }
0x42: {  	[sflag:s22] =	ssyncset.done $0x0  }
0x43: {  	[sflag:s22] =	ssyncadd.s32 $0xFFFFD000  }
0x44: {  	[tilespmem:s16], [sflag:$0x1] =	stream.indirect.gather [hbm4b:s4+s15], $0x80, s23, s15, $0xb8;
	[tilespmem:$0x1F880] =	vst v63  }
0x45: {  	_ =	swait.ge [sflag:s18], $0x3000  }
0x46: {  	[sflag:s18] =	ssyncset.done $0x0  }
0x47: {  	[sflag:s18] =	ssyncadd.s32 $0xFFFFD000  }
0x48: {  	[spmem:s2] =	stream.indirect.scatter.add.f32 [tilespmem:s20], [sflag:$0x2], $0x80, s24, s15, $0xb8;
	[tilespmem:$0x1F880] =	vst v63  }
0x49: {  	_ =	swait.ge [sflag:s22], $0x3000  }
0x4a: {  	[sflag:s22] =	ssyncset.done $0x0  }
0x4b: {  	p0 =	por p1, p1;
	[sflag:s22] =	ssyncadd.s32 $0xFFFFD000  }
0x4c: {  	[tilespmem:s17], [sflag:$0x1] =	stream.indirect.gather [hbm4b:s4+s15], $0x80, s25, s15, $0xb8;
	[tilespmem:$0x1F880] =	vst v63  }
.LBB2_3:
0x4d: {  	_ =	swait.ge [sflag:s18], $0x3000  }
0x4e: {  	s28 =	sshra.s32 s26, $0x2;
	[sflag:s18] =	ssyncset.done $0x0  }
0x4f: {  	s29 =	sadd.s32 $0x1560, s28;
	[sflag:s18] =	ssyncadd.s32 $0xFFFFD000  }
0x50: {  	[spmem:s2] =	stream.indirect.scatter.add.f32 [tilespmem:s16], [sflag:$0x2], $0x80, s29, s15, $0xb8;
	[tilespmem:$0x1F880] =	vst v63  }
0x51: {  	_ =	swait.ge [sflag:s22], $0x3000  }
0x52: {  	[sflag:s22] =	ssyncset.done $0x0  }
0x53: {  	s29 =	sadd.s32 $0x1E0, s28;
	[sflag:s22] =	ssyncadd.s32 $0xFFFFD000  }
0x54: {  	[tilespmem:s20], [sflag:$0x1] =	stream.indirect.gather [hbm4b:s4+s15], $0x80, s29, s15, $0xb8;
	[tilespmem:$0x1F880] =	vst v63  }
0x55: {  	_ =	swait.ge [sflag:s18], $0x3000  }
0x56: {  	p1 =	seq.s32 s26, $0x4800;
	[sflag:s18] =	ssyncset.done $0x0  }
.Ltmp4:
0x57: {  	s29 =	sadd.s32 $0x15C0, s28;
	[sflag:s18] =	ssyncadd.s32 $0xFFFFD000;
	(pc) =	sbr.rel @p1 .LBB2_5-.Ltmp4, $4  }
0x58: {  	[spmem:s2] =	stream.indirect.scatter.add.f32 [tilespmem:s17], [sflag:$0x2], $0x80, s29, s15, $0xb8;
	[tilespmem:$0x1F880] =	vst v63  }
0x59: {  	_ =	swait.ge [sflag:s22], $0x3000  }
0x5a: {  	[sflag:s22] =	ssyncset.done $0x0  }
0x5b: {  	s29 =	sadd.s32 $0x1620, s28;
	[sflag:s22] =	ssyncadd.s32 $0xFFFFD000  }
0x5c: {  	s30 =	sadd.s32 $0x240, s28  }
0x5d: {  	[tilespmem:s16], [sflag:$0x1] =	stream.indirect.gather [hbm4b:s4+s15], $0x80, s30, s15, $0xb8;
	[tilespmem:$0x1F880] =	vst v63  }
0x5e: {  	_ =	swait.ge [sflag:s18], $0x3000  }
0x5f: {  	[sflag:s18] =	ssyncset.done $0x0  }
0x60: {  	[sflag:s18] =	ssyncadd.s32 $0xFFFFD000  }
0x61: {  	[spmem:s2] =	stream.indirect.scatter.add.f32 [tilespmem:s20], [sflag:$0x2], $0x80, s29, s15, $0xb8;
	[tilespmem:$0x1F880] =	vst v63  }
.Ltmp5:
0x62: {  	_ = 	snop;
	(pc) =	sbr.rel .LBB2_3-.Ltmp5, $4  }
0x63: {  	_ =	swait.ge [sflag:s22], $0x3000  }
0x64: {  	[sflag:s22] =	ssyncset.done $0x0  }
0x65: {  	s31 =	sadd.s32 $0x2A0, s28;
	s26 =	sadd.s32 $0x480, s26;
	[sflag:s22] =	ssyncadd.s32 $0xFFFFD000  }
0x66: {  	[tilespmem:s17], [sflag:$0x1] =	stream.indirect.gather [hbm4b:s4+s15], $0x80, s31, s15, $0xb8;
	[tilespmem:$0x1F880] =	vst v63  }
.LBB2_7:
0x67: {  	_ =	sfence.sel $0x180000  }
0x68: {  	[bflag:$0x0] =	sbarrier.arrive $0xFFFF  }
0x69: {  	p0 =	sne.s32 s1, $0x0;
	_ =	strace $0x9000004A  }
0x6a: {  	s0 =	sadd.s32 @!p0 $0x100000, s0;
	[bflag:$0x2] =	sbarrier.arrive $0xFFFF  }
0x6b: {  	[sflag:s0] =	ssyncadd.tile.s32 @!p0 $0x1;
	_ =	shalt  }
.Lfunc_end2:
_tile_overlayer_lowered:
.L_overlay_start_2:
0x6c: {  	(tag) =	ssettag $0x2  }
0x6d: {  	s0 =	rddreg [dreg:$0x0];
	s2 =	stileid.u32  }
0x6e: {  	s1 =	rddreg [dreg:$0x1];
	p0 =	sne.s32 s2, $0x0  }
0x6f: {  	s3 =	rddreg [dreg:$0x2];
	[bflag:$0x3] =	sbarrier.arrive $0xFFFF;
	s2 =	simm.s32 @!p0 $0x1C03  }
0x70: {  	[timem:s3], [sflag:s2] =	dma.local @!p0 [hbm:s0], s1  }
0x71: {  	s0 =	simm.s32 @!p0 $0x3  }
0x72: {  	_ =	swait.ge @!p0 [sflag:s0], s1  }
0x73: {  	s1 =	ssub.s32 @!p0 $0x0, s1;
	[sflag:s0] =	ssyncset.done @!p0 $0x0  }
0x74: {  	[sflag:s0] =	ssyncadd.s32 @!p0 s1  }
0x75: {  	[bflag:$0x3] =	sbarrier.arrive $0xFFFF  }
0x76: {  	_ =	shalt  }

// kernel: kernel.14.cloned.1.call-start
scs
__scs_entry_jumppad:
0x0: {  	(pc) =	sbr.rel $0x88, $3  }
0x1: {  	(tag) =	ssettag $0x0;
	lr =	simm.s32 $0x1  }
0x2: {  	[smem:$0x3F97] =	sst lr;
	_ =	strace $0xD0000000  }
0x3: {  	_ = 	snop  }
0x4: {  	_ = 	snop  }
0x5: {  	_ = 	snop  }
0x6: {  	_ = 	snop  }
0x7: {  	_ = 	snop  }
__scs_overlays_trampoline_lowered:
0x8: {  	[smem:$0x3FA6] =	sst s0  }
0x9: {  	[smem:$0x3FA7] =	sst s1  }
0xa: {  	[smem:$0x3FA8] =	sst s2  }
0xb: {  	[smem:$0x3FA9] =	sst s3  }
0xc: {  	[smem:$0x3FAA] =	sst s4  }
0xd: {  	[smem:$0x3FAB] =	sst s5  }
0xe: {  	[smem:$0x3FAC] =	sst s6  }
0xf: {  	[smem:$0x3FAD] =	sst s7  }
0x10: {  	[smem:$0x3FAE] =	sst s8  }
0x11: {  	[smem:$0x3FAF] =	sst s9;
	s0 =	simm.s32 @!p0 $0x0  }
0x12: {  	s1 =	sld [smem:$0x3F95];
	s0 =	simm.s32 @p0 $0x1  }
0x13: {  	[smem:$0x3FB0] =	sst s0;
	s0 =	simm.s32 @!p1 $0x0  }
0x14: {  	s2 =	sld [smem:$0x3F94];
	s0 =	simm.s32 @p1 $0x1  }
0x15: {  	[smem:$0x3FB1] =	sst s0;
	s0 =	simm.s32 @!p2 $0x0  }
0x16: {  	s3 =	sld [smem:$0x3FDB];
	s0 =	simm.s32 @p2 $0x1  }
0x17: {  	s4 =	simm.s32 $0x1BF5;
	[smem:$0x3FB3] =	sst s0  }
0x18: {  	s0 =	sld [smem:$0x3F96];
	_ =	swait.ge [sflag:s4], $0x0  }
0x19: {  	s7 =	sld [smem:$0x3F97]  }
0x1a: {  	s8 =	sadd.s32 $0xFFFFE003, lr  }
0x1b: {  	s9 =	sadd.s32 $0xFFFFFEF7, lr;
	s5 =	simm.s32 $0xFFFFFFFF;
	p2 =	slt.u32 s8, $0xFFFFF086  }
0x1c: {  	p1 =	slt.u32 s9, $0xF7A;
	s5 =	simm.s32 @!p2 $0x0  }
0x1d: {  	s5 =	simm.s32 @p1 $0x1;
	p0 =	seq.s32 s7, s2  }
0x1e: {  	s7 =	smul.u32 @!p0 $0xF7A, s2;
	p2 =	seq.s32 @!p0 s5, $0x0  }
0x1f: {  	s9 =	smul.u32 $0xF7A, s1;
	s8 =	simm.s32 @!p0 $0x1BF5;
	p2 =	por !p2, p0  }
0x20: {  	[sflag:s8] =	ssyncset.s32 @!p0 $0xFFFFF086;
	s6 =	sadd.s32 @!p0 s3, s7;
	s7 =	simm.s32 @!p0 $0x108  }
0x21: {  	s3 =	sadd.s32 s3, s9;
	s6 =	sadd.s32 @!p0 $0x88, s6;
	s7 =	simm.s32 @p2 $0x1082  }
0x22: {  	[simem:s7], [sflag:s8] =	dma.local @!p0 [hbm:s6], $0xF7A  }
0x23: {  	s9 =	sor.u32 $0xD0000000, s2;
	s6 =	simm.s32 $0x108;
	_ =	swait.ge @!p0 [sflag:s8], $0x0  }
0x24: {  	s3 =	sadd.s32 $0x88, s3;
	s6 =	simm.s32 @!p1 $0x1082;
	[sflag:s4] =	ssyncset.s32 $0xFFFFF086  }
0x25: {  	[simem:s6], [sflag:s4] =	dma.local [hbm:s3], $0xF7A  }
0x26: {  	[smem:$0x3F97] =	sst s1;
	(tag) =	ssettag s2;
	_ =	strace s9  }
0x27: {  	s1 =	sld [smem:$0x3FA7]  }
0x28: {  	s2 =	sld [smem:$0x3FA8]  }
0x29: {  	s4 =	sld [smem:$0x3FAA]  }
0x2a: {  	p0 =	seq.s32 s5, $0x0;
	s5 =	sld [smem:$0x3FAB]  }
0x2b: {  	s6 =	sld [smem:$0x3FAC]  }
0x2c: {  	s7 =	sld [smem:$0x3FAD]  }
0x2d: {  	s3 =	simm.s32 $0x108;
	s8 =	sld [smem:$0x3FAE]  }
0x2e: {  	s3 =	simm.s32 @!p0 $0x1082;
	s9 =	sld [smem:$0x3FAF]  }
0x2f: {  	lr =	sadd.s32 s0, s3;
	s0 =	sld [smem:$0x3FA6]  }
0x30: {  	s3 =	sld [smem:$0x3FA9]  }
0x31: {  	[smem:$0x3FB2] =	sst s10  }
0x32: {  	s10 =	sld [smem:$0x3FB0];
	_ =	sdelay $0x3  }
0x33: {  	p0 =	seq.s32 s10, $0x1;
	s10 =	sld [smem:$0x3FB2];
	_ =	sdelay $0x3  }
0x34: {  	[smem:$0x3FB2] =	sst s10  }
0x35: {  	s10 =	sld [smem:$0x3FB1];
	_ =	sdelay $0x3  }
0x36: {  	p1 =	seq.s32 s10, $0x1;
	s10 =	sld [smem:$0x3FB2];
	_ =	sdelay $0x3  }
0x37: {  	[smem:$0x3FB2] =	sst s10  }
0x38: {  	s10 =	sld [smem:$0x3FB3]  }
0x39: {  	_ = 	snop;
	(pc) =	sbr.ind lr, $3  }
0x3a: {  	_ = 	snop  }
0x3b: {  	_ = 	snop  }
0x3c: {  	p2 =	seq.s32 s10, $0x1;
	s10 =	sld [smem:$0x3FB2]  }
0x3d: {  	_ =	shalt  }
0x3e: {  	_ =	shalt  }
0x3f: {  	_ =	shalt  }
0x40: {  	_ =	shalt  }
0x41: {  	_ =	shalt  }
0x42: {  	_ =	shalt  }
0x43: {  	_ =	shalt  }
0x44: {  	_ =	shalt  }
0x45: {  	_ =	shalt  }
0x46: {  	_ =	shalt  }
0x47: {  	_ =	shalt  }
0x48: {  	_ =	shalt  }
0x49: {  	_ =	shalt  }
0x4a: {  	_ =	shalt  }
0x4b: {  	_ =	shalt  }
0x4c: {  	_ =	shalt  }
0x4d: {  	_ =	shalt  }
0x4e: {  	_ =	shalt  }
0x4f: {  	_ =	shalt  }
0x50: {  	_ =	shalt  }
0x51: {  	_ =	shalt  }
0x52: {  	_ =	shalt  }
0x53: {  	_ =	shalt  }
0x54: {  	_ =	shalt  }
0x55: {  	_ =	shalt  }
0x56: {  	_ =	shalt  }
0x57: {  	_ =	shalt  }
0x58: {  	_ =	shalt  }
0x59: {  	_ =	shalt  }
0x5a: {  	_ =	shalt  }
0x5b: {  	_ =	shalt  }
0x5c: {  	_ =	shalt  }
0x5d: {  	_ =	shalt  }
0x5e: {  	_ =	shalt  }
0x5f: {  	_ =	shalt  }
0x60: {  	_ =	shalt  }
0x61: {  	_ =	shalt  }
0x62: {  	_ =	shalt  }
0x63: {  	_ =	shalt  }
0x64: {  	_ =	shalt  }
0x65: {  	_ =	shalt  }
0x66: {  	_ =	shalt  }
0x67: {  	_ =	shalt  }
0x68: {  	_ =	shalt  }
0x69: {  	_ =	shalt  }
0x6a: {  	_ =	shalt  }
0x6b: {  	_ =	shalt  }
0x6c: {  	_ =	shalt  }
0x6d: {  	_ =	shalt  }
0x6e: {  	_ =	shalt  }
0x6f: {  	_ =	shalt  }
0x70: {  	_ =	shalt  }
0x71: {  	_ =	shalt  }
0x72: {  	_ =	shalt  }
0x73: {  	_ =	shalt  }
0x74: {  	_ =	shalt  }
0x75: {  	_ =	shalt  }
0x76: {  	_ =	shalt  }
0x77: {  	_ =	shalt  }
0x78: {  	_ =	shalt  }
0x79: {  	_ =	shalt  }
0x7a: {  	_ =	shalt  }
0x7b: {  	_ =	shalt  }
0x7c: {  	_ =	shalt  }
0x7d: {  	_ =	shalt  }
0x7e: {  	_ =	shalt  }
0x7f: {  	_ =	shalt  }
0x80: {  	_ =	shalt  }
0x81: {  	_ =	shalt  }
0x82: {  	_ =	shalt  }
0x83: {  	_ =	shalt  }
0x84: {  	_ =	shalt  }
0x85: {  	_ =	shalt  }
0x86: {  	_ =	shalt  }
0x87: {  	_ =	shalt  }
.Lfunc_end0:
.L_simem_size_0:
called_computation.2_lowered:
.L_overlay_start_0:
0x88: {  	s2 =	sld [smem:$0x3FD9]  }
0x89: {  	s3 =	sld [smem:$0x3FFE];
	_ =	sdelay $0x1  }
0x8a: {  	s1 =	srdreg.scid  }
0x8b: {  	s0 =	sand.u32 $0x1, s1  }
0x8c: {  	s16 =	sshll.u32 s0, $0xA;
	s2 =	sadd.s32 s3, s2  }
0x8d: {  	s2 =	sadd.s32 s2, s16  }
0x8e: {  	[smem:$0x3FBE] =	sst s2  }
0x8f: {  	_ = 	snop  }
0x90: {  	(tm) =	ssettm $0x1  }
0x91: {  	s17 =	sld [smem:$0x3FFB];
	_ =	sdelay $0x3  }
0x92: {  	_ =	strace s17  }
0x93: {  	s2 =	sld [smem:$0x3FFC];
	_ =	sdelay $0x3  }
0x94: {  	_ =	strace s2  }
0x95: {  	s2 =	sld [smem:$0x3FFD];
	_ =	sdelay $0x3  }
0x96: {  	_ =	strace s2  }
0x97: {  	_ =	strace $0x8FFFFFFF  }
0x98: {  	s18 =	sld [smem:$0x3FDB];
	_ =	sdelay $0x1  }
0x99: {  	s19 =	simm.s32 $_scs_section_size  }
0x9a: {  	s4 =	simm.s32 $_size__tile_overlayer_lowered;
	s5 =	simm.s32 $_tile_overlayer_lowered  }
0x9b: {  	s22 =	simm.s32 $0x1BFF;
	s21 =	sshll.u32 s5, $0x1;
	s2 =	sadd.s32 s19, s18  }
0x9c: {  	s6 =	simm.s32 $0x0;
	s20 =	sshll.u32 s4, $0x1;
	s4 =	sadd.s32 s21, s2  }
0x9d: {  	[timem:s6], [sflag:s22] =	dma.local [hbm:s4], s20  }
0x9e: {  	_ =	swait.ge [sflag:s22], s20  }
0x9f: {  	s3 =	ssub.s32 $0x0, s20;
	[sflag:s22] =	ssyncset.done $0x0  }
0xa0: {  	[sflag:s22] =	ssyncadd.s32 s3;
	_ =	sdelay $0x1  }
0xa1: {  	s23 =	simm.s32 $0x1B8B  }
0xa2: {  	_ =	swait.ge [sflag:s23], $0x1  }
0xa3: {  	[sflag:s23] =	ssyncset.done $0x0  }
0xa4: {  	s25 =	simm.s32 $0x1B8E;
	s24 =	sld [smem:$0x3FFE];
	[sflag:s23] =	ssyncadd.s32 $0xFFFFFFFF  }
0xa5: {  	s26 =	simm.s32 $execute0_lowered;
	[smem:$0x3FD2] =	sst s25  }
0xa6: {  	s4 =	sshll.u32 s26, $0x1;
	_ =	strace $0x8000004C;
	[dreg:$0x1] =	wrdreg $0xFFFFFFFF  }
0xa7: {  	s28 =	simm.s32 $_size_execute0_lowered;
	s2 =	sadd.s32 s2, s4;
	[dreg:$0x0] =	wrdreg $0x0  }
0xa8: {  	s4 =	sshll.u32 s28, $0x1;
	[dreg:$0x2] =	wrdreg s2  }
0xa9: {  	[dreg:$0x3] =	wrdreg s4  }
0xaa: {  	[dreg:$0x4] =	wrdreg $0xC0  }
0xab: {  	_ =	task [dreg:s6], $0x5FFFF  }
0xac: {  	[dreg:$0x1] =	wrdreg $0xFFFFFFFF  }
0xad: {  	[dreg:$0x0] =	wrdreg $0x60  }
0xae: {  	[dreg:$0x2] =	wrdreg s24  }
0xaf: {  	[dreg:$0x3] =	wrdreg $0xB8800  }
0xb0: {  	[dreg:$0x4] =	wrdreg $0x9  }
0xb1: {  	_ =	task.clear_ibuf [dreg:s6], $0x5FFFF;
	_ =	strace $0x9000004C  }
0xb2: {  	s29 =	simm.s32 $0x9;
	_ =	strace $0x8000004E  }
0xb3: {  	_ =	swait.ge [sflag:s29], $0x1  }
0xb4: {  	[sflag:s29] =	ssyncadd.s32 $0xFFFFFFFF  }
0xb5: {  	_ =	strace $0x9000004E  }
0xb6: {  	_ =	sfence  }
0xb7: {  	s30 =	sld [smem:$0x0];
	_ =	sdelay $0x2  }
0xb8: {  	s31 =	sshll.u32 s1, $0xD;
	s1 =	sshrl.u32 s1, $0x2  }
0xb9: {  	s3 =	sand.u32 $0x4000, s31;
	s1 =	sadd.s32 s1, s30  }
0xba: {  	s0 =	sor.u32 s3, s0;
	s1 =	sshll.u32 s1, $0x11  }
0xbb: {  	s0 =	sor.u32 s1, s0  }
0xbc: {  	s0 =	sadd.s32 $0x8F2B, s0  }
0xbd: {  	[sflag:s0] =	ssyncadd.remote.s32 $0x1  }
0xbe: {  	_ =	sfence.sel $0xFFFF  }
0xbf: {  	[dreg:$0x0] =	wrdreg $0xFFFFFFFF;
	(pc) =	sbr.abs _section_cstart, $3  }
0xc0: {  	[dreg:$0x1] =	wrdreg $0xFFFFFFFF  }
0xc1: {  	_ =	task.clear_ibuf [dreg:s6], $0x2FFFF;
	_ =	strace $0x9FFFFFFF  }
0xc2: {  	(tm) =	ssettm $0x7FFFFFFF  }
0xc3: {  	_ =	shalt  }
tec
execute0_lowered:
.L_overlay_start_1:
0x0: {  	(tag) =	ssettag $0x1  }
0x1: {  	s7 =	rddreg [dreg:$0x0]  }
0x2: {  	s2 =	rddreg [dreg:$0x1]  }
0x3: {  	s0 =	rddreg [dreg:$0x2];
	s3 =	simm.s32 $0x0  }
0x4: {  	s1 =	stileid.u32;
	s4 =	srdreg.scid;
	s14 =	simm.s32 $0x1440  }
0x5: {  	s15 =	simm.s32 $0x60;
	s16 =	simm.s32 $0x2880;
	s17 =	simm.s32 $0x5880  }
0x6: {  	s18 =	simm.s32 $0x1;
	s19 =	simm.s32 $0xC0;
	s20 =	simm.s32 $0x8880  }
0x7: {  	s21 =	simm.s32 $0x14A0;
	s22 =	simm.s32 $0x2;
	s23 =	simm.s32 $0x120  }
0x8: {  	s24 =	simm.s32 $0x1500;
	s25 =	simm.s32 $0x180;
	[smem:$0x7FF] =	sst s3  }
0x9: {  	s8 =	smul.u32 $0x14000, s1;
	s9 =	sand.u32 $0x1, s4;
	s4 =	sadd.s32 $0x3FC00, s7  }
0xa: {  	s5 =	sadd.s32 $0x3800, s7;
	s6 =	sadd.s32 $0xDA00, s7;
	s31 =	sshll.u32 s1, $0x6  }
0xb: {  	_ =	strace $0x8000004D;
	s10 =	smul.u32 $0x140000, s9;
	s12 =	ssub.s32 $0x2, s9  }
0xc: {  	s9 =	sshll.u32 s9, $0x4;
	s11 =	sshrl.u32 s8, $0x3;
	s13 =	sshrl.u32 s12, $0x1  }
.Ltmp0:
0xd: {  	s9 =	sor.u32 s1, s9;
	s30 =	sadd.s32 s8, s2;
	(pc) =	sbr.rel .LBB2_1-.Ltmp0, $4  }
0xe: {  	s11 =	sadd.s32 s11, s7;
	s10 =	sadd.s32 s8, s10;
	s12 =	ssub.s32 s12, s13  }
0xf: {  	s8 =	sor.u32 $0x1C03, s31;
	s9 =	smul.u32 $0x6C, s9;
	s10 =	sshrl.u32 s10, $0x3  }
0x10: {  	s13 =	simm.s32 $0x3;
	s10 =	sadd.s32 s10, s7;
	s7 =	sadd.s32 $0x17C00, s11  }
0x11: {  	s11 =	smax.u32 s12, $0x1;
	s12 =	sshrl.u32 s30, $0x3;
	s10 =	sadd.s32 $0x66E00, s10  }
.LBB2_6:
0x12: {  	s3 =	sadd.s32 $0x1, s3  }
0x13: {  	p0 =	sne.s32 s3, s11  }
.Ltmp1:
0x14: {  	[bflag:$0x0] =	sbarrier.arrive $0xFFFF;
	(pc) =	sbr.rel @!p0 .LBB2_7-.Ltmp1, $4  }
0x15: {  	[hbm:s10], [sflag:s8] =	dma.local [spmem:s12], $0x2800  }
0x16: {  	_ =	swait.ge [sflag:s13], $0x2800  }
0x17: {  	[sflag:s13] =	ssyncset.done $0x0  }
0x18: {  	[sflag:s13] =	ssyncadd.s32 $0xFFFFD800  }
.LBB2_1:
0x19: {  	[spmem:s12], [sflag:s8] =	dma.local [hbm:s7], $0x2800  }
.Ltmp2:
0x1a: {  	_ =	swait.ge [sflag:s13], $0x2800;
	(pc) =	sbr.rel .LBB2_2-.Ltmp2, $4  }
0x1b: {  	[sflag:s13] =	ssyncset.done $0x0  }
0x1c: {  	[sflag:s13] =	ssyncadd.s32 $0xFFFFD800  }
0x1d: {  	[bflag:$0x0] =	sbarrier.arrive $0xFFFF  }
0x1e: {  	p1 =	por $0x1, $0x1;
	s26 =	simm.s32 $0x0  }
.LBB2_5:
0x1f: {  	_ =	swait.ge [sflag:s18], $0x3000  }
0x20: {  	[sflag:s18] =	ssyncset.done $0x0  }
0x21: {  	[sflag:s18] =	ssyncadd.s32 $0xFFFFD000  }
0x22: {  	[spmem:s2] =	stream.indirect.scatter.add.f32 [tilespmem:s20], [sflag:$0x2], $0x80, s29, s15, $0xb8;
	[tilespmem:$0x1F880] =	vst v63  }
0x23: {  	_ =	swait.ge [sflag:s22], $0x3000  }
.Ltmp3:
0x24: {  	[sflag:s22] =	ssyncset.done $0x0;
	(pc) =	sbr.rel @!p0 .LBB2_6-.Ltmp3, $4  }
0x25: {  	[sflag:s22] =	ssyncadd.s32 $0xFFFFD000  }
0x26: {  	_ =	swait.ge [sflag:s22], $0x3000  }
0x27: {  	[sflag:s22] =	ssyncset.done $0x0  }
0x28: {  	s26 =	simm.s32 $0x36;
	p1 =	por $0x0, $0x0;
	[sflag:s22] =	ssyncadd.s32 $0xFFFFD000  }
.LBB2_2:
0x29: {  	s26 =	sadd.s32 s9, s26  }
0x2a: {  	s28 =	smul.u32 $0xC, s26;
	_ =	sdelay $0x1  }
0x2b: {  	s26 =	simm.s32 $0x0;
	s29 =	sadd.s32 s5, s28  }
0x2c: {  	[tilespmem:s26], [sflag:$0x3] =	stream.linear.gather [hbm4b:s29+s26], $0x1440, $0x38;
	[tilespmem:$0x1F880] =	vst v63  }
0x2d: {  	_ =	swait.ge [sflag:s13], $0x1440  }
0x2e: {  	[sflag:s13] =	ssyncset.done $0x0  }
0x2f: {  	s28 =	sadd.s32 s6, s28;
	[sflag:s13] =	ssyncadd.s32 $0xFFFFEBC0  }
0x30: {  	[tilespmem:s14], [sflag:$0x3] =	stream.linear.gather [hbm4b:s28+s26], $0x1440, $0x38;
	[tilespmem:$0x1F880] =	vst v63  }
0x31: {  	_ =	swait.ge [sflag:s13], $0x1440  }
0x32: {  	[sflag:s13] =	ssyncset.done $0x0  }
0x33: {  	[sflag:s13] =	ssyncadd.s32 $0xFFFFEBC0  }
0x34: {  	[tilespmem:s16], [sflag:$0x1] =	stream.indirect.gather [hbm4b:s4+s15], $0x80, s26, s15, $0xb8;
	[tilespmem:$0x1F880] =	vst v63  }
0x35: {  	_ = 	snop  }
0x36: {  	[tilespmem:s17], [sflag:$0x1] =	stream.indirect.gather [hbm4b:s4+s15], $0x80, s15, s15, $0xb8;
	[tilespmem:$0x1F880] =	vst v63  }
0x37: {  	_ =	swait.ge [sflag:s18], $0x3000  }
0x38: {  	[sflag:s18] =	ssyncset.done $0x0  }
0x39: {  	[sflag:s18] =	ssyncadd.s32 $0xFFFFD000  }
0x3a: {  	[spmem:s2] =	stream.indirect.scatter.add.f32 [tilespmem:s16], [sflag:$0x2], $0x80, s14, s15, $0xb8;
	[tilespmem:$0x1F880] =	vst v63  }
0x3b: {  	_ = 	snop  }
0x3c: {  	[tilespmem:s20], [sflag:$0x1] =	stream.indirect.gather [hbm4b:s4+s15], $0x80, s19, s15, $0xb8;
	[tilespmem:$0x1F880] =	vst v63  }
0x3d: {  	_ =	swait.ge [sflag:s18], $0x3000  }
0x3e: {  	[sflag:s18] =	ssyncset.done $0x0  }
0x3f: {  	[sflag:s18] =	ssyncadd.s32 $0xFFFFD000  }
0x40: {  	[spmem:s2] =	stream.indirect.scatter.add.f32 [tilespmem:s17], [sflag:$0x2], $0x80, s21, s15, $0xb8;
	[tilespmem:$0x1F880] =	vst v63  }
0x41: {  	_ =	swait.ge [sflag:s22], $0x3000  }
0x42: {  	[sflag:s22] =	ssyncset.done $0x0  }
0x43: {  	[sflag:s22] =	ssyncadd.s32 $0xFFFFD000  }
0x44: {  	[tilespmem:s16], [sflag:$0x1] =	stream.indirect.gather [hbm4b:s4+s15], $0x80, s23, s15, $0xb8;
	[tilespmem:$0x1F880] =	vst v63  }
0x45: {  	_ =	swait.ge [sflag:s18], $0x3000  }
0x46: {  	[sflag:s18] =	ssyncset.done $0x0  }
0x47: {  	[sflag:s18] =	ssyncadd.s32 $0xFFFFD000  }
0x48: {  	[spmem:s2] =	stream.indirect.scatter.add.f32 [tilespmem:s20], [sflag:$0x2], $0x80, s24, s15, $0xb8;
	[tilespmem:$0x1F880] =	vst v63  }
0x49: {  	_ =	swait.ge [sflag:s22], $0x3000  }
0x4a: {  	[sflag:s22] =	ssyncset.done $0x0  }
0x4b: {  	p0 =	por p1, p1;
	[sflag:s22] =	ssyncadd.s32 $0xFFFFD000  }
0x4c: {  	[tilespmem:s17], [sflag:$0x1] =	stream.indirect.gather [hbm4b:s4+s15], $0x80, s25, s15, $0xb8;
	[tilespmem:$0x1F880] =	vst v63  }
.LBB2_3:
0x4d: {  	_ =	swait.ge [sflag:s18], $0x3000  }
0x4e: {  	s28 =	sshra.s32 s26, $0x2;
	[sflag:s18] =	ssyncset.done $0x0  }
0x4f: {  	s29 =	sadd.s32 $0x1560, s28;
	[sflag:s18] =	ssyncadd.s32 $0xFFFFD000  }
0x50: {  	[spmem:s2] =	stream.indirect.scatter.add.f32 [tilespmem:s16], [sflag:$0x2], $0x80, s29, s15, $0xb8;
	[tilespmem:$0x1F880] =	vst v63  }
0x51: {  	_ =	swait.ge [sflag:s22], $0x3000  }
0x52: {  	[sflag:s22] =	ssyncset.done $0x0  }
0x53: {  	s29 =	sadd.s32 $0x1E0, s28;
	[sflag:s22] =	ssyncadd.s32 $0xFFFFD000  }
0x54: {  	[tilespmem:s20], [sflag:$0x1] =	stream.indirect.gather [hbm4b:s4+s15], $0x80, s29, s15, $0xb8;
	[tilespmem:$0x1F880] =	vst v63  }
0x55: {  	_ =	swait.ge [sflag:s18], $0x3000  }
0x56: {  	p1 =	seq.s32 s26, $0x4800;
	[sflag:s18] =	ssyncset.done $0x0  }
.Ltmp4:
0x57: {  	s29 =	sadd.s32 $0x15C0, s28;
	[sflag:s18] =	ssyncadd.s32 $0xFFFFD000;
	(pc) =	sbr.rel @p1 .LBB2_5-.Ltmp4, $4  }
0x58: {  	[spmem:s2] =	stream.indirect.scatter.add.f32 [tilespmem:s17], [sflag:$0x2], $0x80, s29, s15, $0xb8;
	[tilespmem:$0x1F880] =	vst v63  }
0x59: {  	_ =	swait.ge [sflag:s22], $0x3000  }
0x5a: {  	[sflag:s22] =	ssyncset.done $0x0  }
0x5b: {  	s29 =	sadd.s32 $0x1620, s28;
	[sflag:s22] =	ssyncadd.s32 $0xFFFFD000  }
0x5c: {  	s30 =	sadd.s32 $0x240, s28  }
0x5d: {  	[tilespmem:s16], [sflag:$0x1] =	stream.indirect.gather [hbm4b:s4+s15], $0x80, s30, s15, $0xb8;
	[tilespmem:$0x1F880] =	vst v63  }
0x5e: {  	_ =	swait.ge [sflag:s18], $0x3000  }
0x5f: {  	[sflag:s18] =	ssyncset.done $0x0  }
0x60: {  	[sflag:s18] =	ssyncadd.s32 $0xFFFFD000  }
0x61: {  	[spmem:s2] =	stream.indirect.scatter.add.f32 [tilespmem:s20], [sflag:$0x2], $0x80, s29, s15, $0xb8;
	[tilespmem:$0x1F880] =	vst v63  }
.Ltmp5:
0x62: {  	_ = 	snop;
	(pc) =	sbr.rel .LBB2_3-.Ltmp5, $4  }
0x63: {  	_ =	swait.ge [sflag:s22], $0x3000  }
0x64: {  	[sflag:s22] =	ssyncset.done $0x0  }
0x65: {  	s31 =	sadd.s32 $0x2A0, s28;
	s26 =	sadd.s32 $0x480, s26;
	[sflag:s22] =	ssyncadd.s32 $0xFFFFD000  }
0x66: {  	[tilespmem:s17], [sflag:$0x1] =	stream.indirect.gather [hbm4b:s4+s15], $0x80, s31, s15, $0xb8;
	[tilespmem:$0x1F880] =	vst v63  }
.LBB2_7:
0x67: {  	_ =	sfence.sel $0x180000  }
0x68: {  	[bflag:$0x0] =	sbarrier.arrive $0xFFFF  }
0x69: {  	p0 =	sne.s32 s1, $0x0;
	_ =	strace $0x9000004D  }
0x6a: {  	s0 =	sadd.s32 @!p0 $0x100000, s0;
	[bflag:$0x2] =	sbarrier.arrive $0xFFFF  }
0x6b: {  	[sflag:s0] =	ssyncadd.tile.s32 @!p0 $0x1;
	_ =	shalt  }
.Lfunc_end2:
_tile_overlayer_lowered:
.L_overlay_start_2:
0x6c: {  	(tag) =	ssettag $0x2  }
0x6d: {  	s0 =	rddreg [dreg:$0x0];
	s2 =	stileid.u32  }
0x6e: {  	s1 =	rddreg [dreg:$0x1];
	p0 =	sne.s32 s2, $0x0  }
0x6f: {  	s3 =	rddreg [dreg:$0x2];
	[bflag:$0x3] =	sbarrier.arrive $0xFFFF;
	s2 =	simm.s32 @!p0 $0x1C03  }
0x70: {  	[timem:s3], [sflag:s2] =	dma.local @!p0 [hbm:s0], s1  }
0x71: {  	s0 =	simm.s32 @!p0 $0x3  }
0x72: {  	_ =	swait.ge @!p0 [sflag:s0], s1  }
0x73: {  	s1 =	ssub.s32 @!p0 $0x0, s1;
	[sflag:s0] =	ssyncset.done @!p0 $0x0  }
0x74: {  	[sflag:s0] =	ssyncadd.s32 @!p0 s1  }
0x75: {  	[bflag:$0x3] =	sbarrier.arrive $0xFFFF  }
0x76: {  	_ =	shalt  }

// kernel: kernel.8.cloned.1.call-start
scs
__scs_entry_jumppad:
0x0: {  	(pc) =	sbr.rel $0x88, $3  }
0x1: {  	(tag) =	ssettag $0x0;
	lr =	simm.s32 $0x1  }
0x2: {  	[smem:$0x3F97] =	sst lr;
	_ =	strace $0xD0000000  }
0x3: {  	_ = 	snop  }
0x4: {  	_ = 	snop  }
0x5: {  	_ = 	snop  }
0x6: {  	_ = 	snop  }
0x7: {  	_ = 	snop  }
__scs_overlays_trampoline_lowered:
0x8: {  	[smem:$0x3FA6] =	sst s0  }
0x9: {  	[smem:$0x3FA7] =	sst s1  }
0xa: {  	[smem:$0x3FA8] =	sst s2  }
0xb: {  	[smem:$0x3FA9] =	sst s3  }
0xc: {  	[smem:$0x3FAA] =	sst s4  }
0xd: {  	[smem:$0x3FAB] =	sst s5  }
0xe: {  	[smem:$0x3FAC] =	sst s6  }
0xf: {  	[smem:$0x3FAD] =	sst s7  }
0x10: {  	[smem:$0x3FAE] =	sst s8  }
0x11: {  	[smem:$0x3FAF] =	sst s9;
	s0 =	simm.s32 @!p0 $0x0  }
0x12: {  	s1 =	sld [smem:$0x3F95];
	s0 =	simm.s32 @p0 $0x1  }
0x13: {  	[smem:$0x3FB0] =	sst s0;
	s0 =	simm.s32 @!p1 $0x0  }
0x14: {  	s2 =	sld [smem:$0x3F94];
	s0 =	simm.s32 @p1 $0x1  }
0x15: {  	[smem:$0x3FB1] =	sst s0;
	s0 =	simm.s32 @!p2 $0x0  }
0x16: {  	s3 =	sld [smem:$0x3FDB];
	s0 =	simm.s32 @p2 $0x1  }
0x17: {  	s4 =	simm.s32 $0x1BF5;
	[smem:$0x3FB3] =	sst s0  }
0x18: {  	s0 =	sld [smem:$0x3F96];
	_ =	swait.ge [sflag:s4], $0x0  }
0x19: {  	s7 =	sld [smem:$0x3F97]  }
0x1a: {  	s8 =	sadd.s32 $0xFFFFE003, lr  }
0x1b: {  	s9 =	sadd.s32 $0xFFFFFEF7, lr;
	s5 =	simm.s32 $0xFFFFFFFF;
	p2 =	slt.u32 s8, $0xFFFFF086  }
0x1c: {  	p1 =	slt.u32 s9, $0xF7A;
	s5 =	simm.s32 @!p2 $0x0  }
0x1d: {  	s5 =	simm.s32 @p1 $0x1;
	p0 =	seq.s32 s7, s2  }
0x1e: {  	s7 =	smul.u32 @!p0 $0xF7A, s2;
	p2 =	seq.s32 @!p0 s5, $0x0  }
0x1f: {  	s9 =	smul.u32 $0xF7A, s1;
	s8 =	simm.s32 @!p0 $0x1BF5;
	p2 =	por !p2, p0  }
0x20: {  	[sflag:s8] =	ssyncset.s32 @!p0 $0xFFFFF086;
	s6 =	sadd.s32 @!p0 s3, s7;
	s7 =	simm.s32 @!p0 $0x108  }
0x21: {  	s3 =	sadd.s32 s3, s9;
	s6 =	sadd.s32 @!p0 $0x88, s6;
	s7 =	simm.s32 @p2 $0x1082  }
0x22: {  	[simem:s7], [sflag:s8] =	dma.local @!p0 [hbm:s6], $0xF7A  }
0x23: {  	s9 =	sor.u32 $0xD0000000, s2;
	s6 =	simm.s32 $0x108;
	_ =	swait.ge @!p0 [sflag:s8], $0x0  }
0x24: {  	s3 =	sadd.s32 $0x88, s3;
	s6 =	simm.s32 @!p1 $0x1082;
	[sflag:s4] =	ssyncset.s32 $0xFFFFF086  }
0x25: {  	[simem:s6], [sflag:s4] =	dma.local [hbm:s3], $0xF7A  }
0x26: {  	[smem:$0x3F97] =	sst s1;
	(tag) =	ssettag s2;
	_ =	strace s9  }
0x27: {  	s1 =	sld [smem:$0x3FA7]  }
0x28: {  	s2 =	sld [smem:$0x3FA8]  }
0x29: {  	s4 =	sld [smem:$0x3FAA]  }
0x2a: {  	p0 =	seq.s32 s5, $0x0;
	s5 =	sld [smem:$0x3FAB]  }
0x2b: {  	s6 =	sld [smem:$0x3FAC]  }
0x2c: {  	s7 =	sld [smem:$0x3FAD]  }
0x2d: {  	s3 =	simm.s32 $0x108;
	s8 =	sld [smem:$0x3FAE]  }
0x2e: {  	s3 =	simm.s32 @!p0 $0x1082;
	s9 =	sld [smem:$0x3FAF]  }
0x2f: {  	lr =	sadd.s32 s0, s3;
	s0 =	sld [smem:$0x3FA6]  }
0x30: {  	s3 =	sld [smem:$0x3FA9]  }
0x31: {  	[smem:$0x3FB2] =	sst s10  }
0x32: {  	s10 =	sld [smem:$0x3FB0];
	_ =	sdelay $0x3  }
0x33: {  	p0 =	seq.s32 s10, $0x1;
	s10 =	sld [smem:$0x3FB2];
	_ =	sdelay $0x3  }
0x34: {  	[smem:$0x3FB2] =	sst s10  }
0x35: {  	s10 =	sld [smem:$0x3FB1];
	_ =	sdelay $0x3  }
0x36: {  	p1 =	seq.s32 s10, $0x1;
	s10 =	sld [smem:$0x3FB2];
	_ =	sdelay $0x3  }
0x37: {  	[smem:$0x3FB2] =	sst s10  }
0x38: {  	s10 =	sld [smem:$0x3FB3]  }
0x39: {  	_ = 	snop;
	(pc) =	sbr.ind lr, $3  }
0x3a: {  	_ = 	snop  }
0x3b: {  	_ = 	snop  }
0x3c: {  	p2 =	seq.s32 s10, $0x1;
	s10 =	sld [smem:$0x3FB2]  }
0x3d: {  	_ =	shalt  }
0x3e: {  	_ =	shalt  }
0x3f: {  	_ =	shalt  }
0x40: {  	_ =	shalt  }
0x41: {  	_ =	shalt  }
0x42: {  	_ =	shalt  }
0x43: {  	_ =	shalt  }
0x44: {  	_ =	shalt  }
0x45: {  	_ =	shalt  }
0x46: {  	_ =	shalt  }
0x47: {  	_ =	shalt  }
0x48: {  	_ =	shalt  }
0x49: {  	_ =	shalt  }
0x4a: {  	_ =	shalt  }
0x4b: {  	_ =	shalt  }
0x4c: {  	_ =	shalt  }
0x4d: {  	_ =	shalt  }
0x4e: {  	_ =	shalt  }
0x4f: {  	_ =	shalt  }
0x50: {  	_ =	shalt  }
0x51: {  	_ =	shalt  }
0x52: {  	_ =	shalt  }
0x53: {  	_ =	shalt  }
0x54: {  	_ =	shalt  }
0x55: {  	_ =	shalt  }
0x56: {  	_ =	shalt  }
0x57: {  	_ =	shalt  }
0x58: {  	_ =	shalt  }
0x59: {  	_ =	shalt  }
0x5a: {  	_ =	shalt  }
0x5b: {  	_ =	shalt  }
0x5c: {  	_ =	shalt  }
0x5d: {  	_ =	shalt  }
0x5e: {  	_ =	shalt  }
0x5f: {  	_ =	shalt  }
0x60: {  	_ =	shalt  }
0x61: {  	_ =	shalt  }
0x62: {  	_ =	shalt  }
0x63: {  	_ =	shalt  }
0x64: {  	_ =	shalt  }
0x65: {  	_ =	shalt  }
0x66: {  	_ =	shalt  }
0x67: {  	_ =	shalt  }
0x68: {  	_ =	shalt  }
0x69: {  	_ =	shalt  }
0x6a: {  	_ =	shalt  }
0x6b: {  	_ =	shalt  }
0x6c: {  	_ =	shalt  }
0x6d: {  	_ =	shalt  }
0x6e: {  	_ =	shalt  }
0x6f: {  	_ =	shalt  }
0x70: {  	_ =	shalt  }
0x71: {  	_ =	shalt  }
0x72: {  	_ =	shalt  }
0x73: {  	_ =	shalt  }
0x74: {  	_ =	shalt  }
0x75: {  	_ =	shalt  }
0x76: {  	_ =	shalt  }
0x77: {  	_ =	shalt  }
0x78: {  	_ =	shalt  }
0x79: {  	_ =	shalt  }
0x7a: {  	_ =	shalt  }
0x7b: {  	_ =	shalt  }
0x7c: {  	_ =	shalt  }
0x7d: {  	_ =	shalt  }
0x7e: {  	_ =	shalt  }
0x7f: {  	_ =	shalt  }
0x80: {  	_ =	shalt  }
0x81: {  	_ =	shalt  }
0x82: {  	_ =	shalt  }
0x83: {  	_ =	shalt  }
0x84: {  	_ =	shalt  }
0x85: {  	_ =	shalt  }
0x86: {  	_ =	shalt  }
0x87: {  	_ =	shalt  }
.Lfunc_end0:
.L_simem_size_0:
called_computation_lowered:
.L_overlay_start_0:
0x88: {  	s2 =	sld [smem:$0x3FD9]  }
0x89: {  	s3 =	sld [smem:$0x3FFE];
	_ =	sdelay $0x1  }
0x8a: {  	s1 =	srdreg.scid  }
0x8b: {  	s0 =	sand.u32 $0x1, s1  }
0x8c: {  	s17 =	sshll.u32 s0, $0xA;
	s2 =	sadd.s32 s3, s2  }
0x8d: {  	s2 =	sadd.s32 s2, s17  }
0x8e: {  	[smem:$0x3FBE] =	sst s2  }
0x8f: {  	_ = 	snop  }
0x90: {  	s2 =	sld [smem:$0x3FC9];
	(tm) =	ssettm $0x1  }
0x91: {  	s18 =	sld [smem:$0x3FFB];
	_ =	sdelay $0x3  }
0x92: {  	_ =	strace s18  }
0x93: {  	s3 =	sld [smem:$0x3FFC];
	_ =	sdelay $0x3  }
0x94: {  	_ =	strace s3  }
0x95: {  	s3 =	sld [smem:$0x3FFD];
	_ =	sdelay $0x3  }
0x96: {  	_ =	strace s3  }
0x97: {  	_ =	strace $0x8FFFFFFF  }
0x98: {  	s19 =	sld [smem:$0x3FDB];
	_ =	sdelay $0x1  }
0x99: {  	s4 =	simm.s32 $_scs_section_size  }
0x9a: {  	s5 =	simm.s32 $_size__tile_overlayer_lowered;
	s6 =	simm.s32 $_tile_overlayer_lowered  }
0x9b: {  	s22 =	simm.s32 $0x1BFF;
	s21 =	sshll.u32 s6, $0x1;
	s3 =	sadd.s32 s4, s19  }
0x9c: {  	s7 =	simm.s32 $0x0;
	s20 =	sshll.u32 s5, $0x1;
	s5 =	sadd.s32 s21, s3  }
0x9d: {  	[timem:s7], [sflag:s22] =	dma.local [hbm:s5], s20  }
0x9e: {  	_ =	swait.ge [sflag:s22], s20  }
0x9f: {  	s4 =	ssub.s32 $0x0, s20;
	[sflag:s22] =	ssyncset.done $0x0  }
0xa0: {  	[sflag:s22] =	ssyncadd.s32 s4;
	_ =	sdelay $0x1  }
0xa1: {  	s23 =	simm.s32 $0x1B8B  }
0xa2: {  	_ =	swait.ge [sflag:s23], $0x1  }
0xa3: {  	[sflag:s23] =	ssyncset.done $0x0  }
0xa4: {  	s25 =	simm.s32 $0x1B8E;
	s24 =	sld [smem:$0x3FFE];
	[sflag:s23] =	ssyncadd.s32 $0xFFFFFFFF  }
0xa5: {  	s26 =	simm.s32 $execute0_lowered;
	[smem:$0x3FD2] =	sst s25  }
0xa6: {  	s5 =	sshll.u32 s26, $0x1;
	_ =	strace $0x80000046;
	[dreg:$0x1] =	wrdreg $0xFFFFFFFF  }
0xa7: {  	s28 =	simm.s32 $_size_execute0_lowered;
	s3 =	sadd.s32 s3, s5;
	[dreg:$0x0] =	wrdreg $0x0  }
0xa8: {  	s5 =	sshll.u32 s28, $0x1;
	[dreg:$0x2] =	wrdreg s3  }
0xa9: {  	[dreg:$0x3] =	wrdreg s5  }
0xaa: {  	[dreg:$0x4] =	wrdreg $0xC0  }
0xab: {  	_ =	task [dreg:s7], $0x5FFFF  }
0xac: {  	[dreg:$0x1] =	wrdreg $0xFFFFFFFF  }
0xad: {  	[dreg:$0x0] =	wrdreg $0x60  }
0xae: {  	[dreg:$0x2] =	wrdreg s2  }
0xaf: {  	[dreg:$0x3] =	wrdreg s24  }
0xb0: {  	[dreg:$0x4] =	wrdreg $0xB8800  }
0xb1: {  	[dreg:$0x5] =	wrdreg $0x9  }
0xb2: {  	_ =	task.clear_ibuf [dreg:s7], $0x6FFFF;
	_ =	strace $0x90000046  }
0xb3: {  	s29 =	simm.s32 $0x9;
	_ =	strace $0x80000048  }
0xb4: {  	_ =	swait.ge [sflag:s29], $0x1  }
0xb5: {  	[sflag:s29] =	ssyncadd.s32 $0xFFFFFFFF  }
0xb6: {  	_ =	strace $0x90000048  }
0xb7: {  	_ =	sfence  }
0xb8: {  	s30 =	sld [smem:$0x0];
	_ =	sdelay $0x2  }
0xb9: {  	s31 =	sshll.u32 s1, $0xD;
	s1 =	sshrl.u32 s1, $0x2  }
0xba: {  	s3 =	sand.u32 $0x4000, s31;
	s1 =	sadd.s32 s1, s30  }
0xbb: {  	s0 =	sor.u32 s3, s0;
	s1 =	sshll.u32 s1, $0x11  }
0xbc: {  	s0 =	sor.u32 s1, s0  }
0xbd: {  	s0 =	sadd.s32 $0x8F2B, s0  }
0xbe: {  	[sflag:s0] =	ssyncadd.remote.s32 $0x1  }
0xbf: {  	_ =	sfence.sel $0xFFFF  }
0xc0: {  	[dreg:$0x0] =	wrdreg $0xFFFFFFFF;
	(pc) =	sbr.abs _section_cstart, $3  }
0xc1: {  	[dreg:$0x1] =	wrdreg $0xFFFFFFFF  }
0xc2: {  	_ =	task.clear_ibuf [dreg:s7], $0x2FFFF;
	_ =	strace $0x9FFFFFFF  }
0xc3: {  	(tm) =	ssettm $0x7FFFFFFF  }
tec
execute0_lowered:
.L_overlay_start_1:
0x0: {  	(tag) =	ssettag $0x1  }
0x1: {  	s1 =	rddreg [dreg:$0x0]  }
0x2: {  	s7 =	rddreg [dreg:$0x1]  }
0x3: {  	s3 =	rddreg [dreg:$0x2]  }
0x4: {  	s0 =	rddreg [dreg:$0x3]  }
0x5: {  	s4 =	simm.s32 $0x0;
	s2 =	stileid.u32;
	s5 =	srdreg.scid  }
0x6: {  	s14 =	simm.s32 $0x1440;
	s15 =	simm.s32 $0x60;
	s16 =	simm.s32 $0x2880  }
0x7: {  	s17 =	simm.s32 $0x5880;
	s18 =	simm.s32 $0x1;
	s19 =	simm.s32 $0xC0  }
0x8: {  	s20 =	simm.s32 $0x8880;
	s21 =	simm.s32 $0x14A0;
	s22 =	simm.s32 $0x2  }
0x9: {  	s23 =	simm.s32 $0x120;
	s24 =	simm.s32 $0x1500;
	s25 =	simm.s32 $0x180  }
0xa: {  	[smem:$0x7FF] =	sst s4;
	s8 =	smul.u32 $0x14000, s2;
	s9 =	sand.u32 $0x1, s5  }
0xb: {  	s5 =	sadd.s32 $0x3800, s7;
	s6 =	sadd.s32 $0xDA00, s7;
	s31 =	sshll.u32 s2, $0x6  }
0xc: {  	_ =	strace $0x80000047;
	s10 =	smul.u32 $0x140000, s9;
	s12 =	ssub.s32 $0x2, s9  }
0xd: {  	s9 =	sshll.u32 s9, $0x4;
	s11 =	sshrl.u32 s8, $0x3;
	s13 =	sshrl.u32 s12, $0x1  }
.Ltmp0:
0xe: {  	s9 =	sor.u32 s2, s9;
	s30 =	sadd.s32 s8, s3;
	(pc) =	sbr.rel .LBB2_1-.Ltmp0, $4  }
0xf: {  	s11 =	sadd.s32 s11, s7;
	s10 =	sadd.s32 s8, s10;
	s12 =	ssub.s32 s12, s13  }
0x10: {  	s8 =	sor.u32 $0x1C03, s31;
	s9 =	smul.u32 $0x6C, s9;
	s10 =	sshrl.u32 s10, $0x3  }
0x11: {  	s13 =	simm.s32 $0x3;
	s10 =	sadd.s32 s10, s7;
	s7 =	sadd.s32 $0x17C00, s11  }
0x12: {  	s11 =	smax.u32 s12, $0x1;
	s12 =	sshrl.u32 s30, $0x3;
	s10 =	sadd.s32 $0x3FC00, s10  }
.LBB2_6:
0x13: {  	s4 =	sadd.s32 $0x1, s4  }
0x14: {  	p0 =	sne.s32 s4, s11  }
.Ltmp1:
0x15: {  	[bflag:$0x0] =	sbarrier.arrive $0xFFFF;
	(pc) =	sbr.rel @!p0 .LBB2_7-.Ltmp1, $4  }
0x16: {  	[hbm:s10], [sflag:s8] =	dma.local [spmem:s12], $0x2800  }
0x17: {  	_ =	swait.ge [sflag:s13], $0x2800  }
0x18: {  	[sflag:s13] =	ssyncset.done $0x0  }
0x19: {  	[sflag:s13] =	ssyncadd.s32 $0xFFFFD800  }
.LBB2_1:
0x1a: {  	[spmem:s12], [sflag:s8] =	dma.local [hbm:s7], $0x2800  }
.Ltmp2:
0x1b: {  	_ =	swait.ge [sflag:s13], $0x2800;
	(pc) =	sbr.rel .LBB2_2-.Ltmp2, $4  }
0x1c: {  	[sflag:s13] =	ssyncset.done $0x0  }
0x1d: {  	[sflag:s13] =	ssyncadd.s32 $0xFFFFD800  }
0x1e: {  	[bflag:$0x0] =	sbarrier.arrive $0xFFFF  }
0x1f: {  	p1 =	por $0x1, $0x1;
	s26 =	simm.s32 $0x0  }
.LBB2_5:
0x20: {  	_ =	swait.ge [sflag:s18], $0x3000  }
0x21: {  	[sflag:s18] =	ssyncset.done $0x0  }
0x22: {  	[sflag:s18] =	ssyncadd.s32 $0xFFFFD000  }
0x23: {  	[spmem:s3] =	stream.indirect.scatter.add.f32 [tilespmem:s20], [sflag:$0x2], $0x80, s29, s15, $0xb8;
	[tilespmem:$0x1F880] =	vst v63  }
0x24: {  	_ =	swait.ge [sflag:s22], $0x3000  }
.Ltmp3:
0x25: {  	[sflag:s22] =	ssyncset.done $0x0;
	(pc) =	sbr.rel @!p0 .LBB2_6-.Ltmp3, $4  }
0x26: {  	[sflag:s22] =	ssyncadd.s32 $0xFFFFD000  }
0x27: {  	_ =	swait.ge [sflag:s22], $0x3000  }
0x28: {  	[sflag:s22] =	ssyncset.done $0x0  }
0x29: {  	s26 =	simm.s32 $0x36;
	p1 =	por $0x0, $0x0;
	[sflag:s22] =	ssyncadd.s32 $0xFFFFD000  }
.LBB2_2:
0x2a: {  	s26 =	sadd.s32 s9, s26  }
0x2b: {  	s28 =	smul.u32 $0xC, s26;
	_ =	sdelay $0x1  }
0x2c: {  	s26 =	simm.s32 $0x0;
	s29 =	sadd.s32 s5, s28  }
0x2d: {  	[tilespmem:s26], [sflag:$0x3] =	stream.linear.gather [hbm4b:s29+s26], $0x1440, $0x38;
	[tilespmem:$0x1F880] =	vst v63  }
0x2e: {  	_ =	swait.ge [sflag:s13], $0x1440  }
0x2f: {  	[sflag:s13] =	ssyncset.done $0x0  }
0x30: {  	s28 =	sadd.s32 s6, s28;
	[sflag:s13] =	ssyncadd.s32 $0xFFFFEBC0  }
0x31: {  	[tilespmem:s14], [sflag:$0x3] =	stream.linear.gather [hbm4b:s28+s26], $0x1440, $0x38;
	[tilespmem:$0x1F880] =	vst v63  }
0x32: {  	_ =	swait.ge [sflag:s13], $0x1440  }
0x33: {  	[sflag:s13] =	ssyncset.done $0x0  }
0x34: {  	[sflag:s13] =	ssyncadd.s32 $0xFFFFEBC0  }
0x35: {  	[tilespmem:s16], [sflag:$0x1] =	stream.indirect.gather [hbm4b:s1+s15], $0x80, s26, s15, $0xb8;
	[tilespmem:$0x1F880] =	vst v63  }
0x36: {  	_ = 	snop  }
0x37: {  	[tilespmem:s17], [sflag:$0x1] =	stream.indirect.gather [hbm4b:s1+s15], $0x80, s15, s15, $0xb8;
	[tilespmem:$0x1F880] =	vst v63  }
0x38: {  	_ =	swait.ge [sflag:s18], $0x3000  }
0x39: {  	[sflag:s18] =	ssyncset.done $0x0  }
0x3a: {  	[sflag:s18] =	ssyncadd.s32 $0xFFFFD000  }
0x3b: {  	[spmem:s3] =	stream.indirect.scatter.add.f32 [tilespmem:s16], [sflag:$0x2], $0x80, s14, s15, $0xb8;
	[tilespmem:$0x1F880] =	vst v63  }
0x3c: {  	_ = 	snop  }
0x3d: {  	[tilespmem:s20], [sflag:$0x1] =	stream.indirect.gather [hbm4b:s1+s15], $0x80, s19, s15, $0xb8;
	[tilespmem:$0x1F880] =	vst v63  }
0x3e: {  	_ =	swait.ge [sflag:s18], $0x3000  }
0x3f: {  	[sflag:s18] =	ssyncset.done $0x0  }
0x40: {  	[sflag:s18] =	ssyncadd.s32 $0xFFFFD000  }
0x41: {  	[spmem:s3] =	stream.indirect.scatter.add.f32 [tilespmem:s17], [sflag:$0x2], $0x80, s21, s15, $0xb8;
	[tilespmem:$0x1F880] =	vst v63  }
0x42: {  	_ =	swait.ge [sflag:s22], $0x3000  }
0x43: {  	[sflag:s22] =	ssyncset.done $0x0  }
0x44: {  	[sflag:s22] =	ssyncadd.s32 $0xFFFFD000  }
0x45: {  	[tilespmem:s16], [sflag:$0x1] =	stream.indirect.gather [hbm4b:s1+s15], $0x80, s23, s15, $0xb8;
	[tilespmem:$0x1F880] =	vst v63  }
0x46: {  	_ =	swait.ge [sflag:s18], $0x3000  }
0x47: {  	[sflag:s18] =	ssyncset.done $0x0  }
0x48: {  	[sflag:s18] =	ssyncadd.s32 $0xFFFFD000  }
0x49: {  	[spmem:s3] =	stream.indirect.scatter.add.f32 [tilespmem:s20], [sflag:$0x2], $0x80, s24, s15, $0xb8;
	[tilespmem:$0x1F880] =	vst v63  }
0x4a: {  	_ =	swait.ge [sflag:s22], $0x3000  }
0x4b: {  	[sflag:s22] =	ssyncset.done $0x0  }
0x4c: {  	p0 =	por p1, p1;
	[sflag:s22] =	ssyncadd.s32 $0xFFFFD000  }
0x4d: {  	[tilespmem:s17], [sflag:$0x1] =	stream.indirect.gather [hbm4b:s1+s15], $0x80, s25, s15, $0xb8;
	[tilespmem:$0x1F880] =	vst v63  }
.LBB2_3:
0x4e: {  	_ =	swait.ge [sflag:s18], $0x3000  }
0x4f: {  	s28 =	sshra.s32 s26, $0x2;
	[sflag:s18] =	ssyncset.done $0x0  }
0x50: {  	s29 =	sadd.s32 $0x1560, s28;
	[sflag:s18] =	ssyncadd.s32 $0xFFFFD000  }
0x51: {  	[spmem:s3] =	stream.indirect.scatter.add.f32 [tilespmem:s16], [sflag:$0x2], $0x80, s29, s15, $0xb8;
	[tilespmem:$0x1F880] =	vst v63  }
0x52: {  	_ =	swait.ge [sflag:s22], $0x3000  }
0x53: {  	[sflag:s22] =	ssyncset.done $0x0  }
0x54: {  	s29 =	sadd.s32 $0x1E0, s28;
	[sflag:s22] =	ssyncadd.s32 $0xFFFFD000  }
0x55: {  	[tilespmem:s20], [sflag:$0x1] =	stream.indirect.gather [hbm4b:s1+s15], $0x80, s29, s15, $0xb8;
	[tilespmem:$0x1F880] =	vst v63  }
0x56: {  	_ =	swait.ge [sflag:s18], $0x3000  }
0x57: {  	p1 =	seq.s32 s26, $0x4800;
	[sflag:s18] =	ssyncset.done $0x0  }
.Ltmp4:
0x58: {  	s29 =	sadd.s32 $0x15C0, s28;
	[sflag:s18] =	ssyncadd.s32 $0xFFFFD000;
	(pc) =	sbr.rel @p1 .LBB2_5-.Ltmp4, $4  }
0x59: {  	[spmem:s3] =	stream.indirect.scatter.add.f32 [tilespmem:s17], [sflag:$0x2], $0x80, s29, s15, $0xb8;
	[tilespmem:$0x1F880] =	vst v63  }
0x5a: {  	_ =	swait.ge [sflag:s22], $0x3000  }
0x5b: {  	[sflag:s22] =	ssyncset.done $0x0  }
0x5c: {  	s29 =	sadd.s32 $0x1620, s28;
	[sflag:s22] =	ssyncadd.s32 $0xFFFFD000  }
0x5d: {  	s30 =	sadd.s32 $0x240, s28  }
0x5e: {  	[tilespmem:s16], [sflag:$0x1] =	stream.indirect.gather [hbm4b:s1+s15], $0x80, s30, s15, $0xb8;
	[tilespmem:$0x1F880] =	vst v63  }
0x5f: {  	_ =	swait.ge [sflag:s18], $0x3000  }
0x60: {  	[sflag:s18] =	ssyncset.done $0x0  }
0x61: {  	[sflag:s18] =	ssyncadd.s32 $0xFFFFD000  }
0x62: {  	[spmem:s3] =	stream.indirect.scatter.add.f32 [tilespmem:s20], [sflag:$0x2], $0x80, s29, s15, $0xb8;
	[tilespmem:$0x1F880] =	vst v63  }
.Ltmp5:
0x63: {  	_ = 	snop;
	(pc) =	sbr.rel .LBB2_3-.Ltmp5, $4  }
0x64: {  	_ =	swait.ge [sflag:s22], $0x3000  }
0x65: {  	[sflag:s22] =	ssyncset.done $0x0  }
0x66: {  	s31 =	sadd.s32 $0x2A0, s28;
	s26 =	sadd.s32 $0x480, s26;
	[sflag:s22] =	ssyncadd.s32 $0xFFFFD000  }
0x67: {  	[tilespmem:s17], [sflag:$0x1] =	stream.indirect.gather [hbm4b:s1+s15], $0x80, s31, s15, $0xb8;
	[tilespmem:$0x1F880] =	vst v63  }
.LBB2_7:
0x68: {  	_ =	sfence.sel $0x180000  }
0x69: {  	[bflag:$0x0] =	sbarrier.arrive $0xFFFF  }
0x6a: {  	p0 =	sne.s32 s2, $0x0;
	_ =	strace $0x90000047  }
0x6b: {  	s0 =	sadd.s32 @!p0 $0x100000, s0;
	[bflag:$0x2] =	sbarrier.arrive $0xFFFF  }
0x6c: {  	[sflag:s0] =	ssyncadd.tile.s32 @!p0 $0x1;
	_ =	shalt  }
.Lfunc_end2:
_tile_overlayer_lowered:
.L_overlay_start_2:
0x6d: {  	(tag) =	ssettag $0x2  }
0x6e: {  	s0 =	rddreg [dreg:$0x0];
	s2 =	stileid.u32  }
0x6f: {  	s1 =	rddreg [dreg:$0x1];
	p0 =	sne.s32 s2, $0x0  }
0x70: {  	s3 =	rddreg [dreg:$0x2];
	[bflag:$0x3] =	sbarrier.arrive $0xFFFF;
	s2 =	simm.s32 @!p0 $0x1C03  }
0x71: {  	[timem:s3], [sflag:s2] =	dma.local @!p0 [hbm:s0], s1  }
0x72: {  	s0 =	simm.s32 @!p0 $0x3  }
0x73: {  	_ =	swait.ge @!p0 [sflag:s0], s1  }
0x74: {  	s1 =	ssub.s32 @!p0 $0x0, s1;
	[sflag:s0] =	ssyncset.done @!p0 $0x0  }
0x75: {  	[sflag:s0] =	ssyncadd.s32 @!p0 s1  }
0x76: {  	[bflag:$0x3] =	sbarrier.arrive $0xFFFF  }
0x77: {  	_ =	shalt  }

</sc_bundles>
